<compile_context>
chip_gen: v7x
topology: tpu7x:2x2x1
jax: 0.10.2.dev20260603
libtpu: 0.0.44.dev20260713+nightly
codegen_flags: <defaults>
</compile_context>

<pallas_src>
import functools

import jax
import jax.numpy as jnp
from jax import lax
from jax.experimental import pallas as pl
from jax.experimental.pallas import tpu as pltpu
from jax.experimental.pallas import tpu_sc as plsc

_RADIUS = 0.2
_R2 = _RADIUS * _RADIUS
_NSAMPLE = 32
_EPS = 1e-5

_HIGH = jax.lax.Precision.HIGHEST


def _prep_body(x67_ref, w1_ref, w1x_ref, b1_ref, u_ref, v_ref):
    x = x67_ref[0]
    w1 = w1_ref[...]
    w1x = w1x_ref[...]
    b1 = b1_ref[0]
    u = jnp.einsum("nc,oc->no", x, w1, precision=_HIGH) + b1[None, :]
    v = -jnp.einsum("nc,oc->no", x, w1x, precision=_HIGH)
    n = x.shape[0]
    u_ref[0] = jnp.concatenate([u, jnp.zeros((n, 64), jnp.float32)], axis=1)
    v_ref[0] = v


def _prep(x67, w1, w1x, b1):
    B, N, _ = x67.shape
    return pl.pallas_call(
        _prep_body,
        grid=(B,),
        in_specs=[
            pl.BlockSpec((1, N, 67), lambda b: (b, 0, 0)),
            pl.BlockSpec((64, 67), lambda b: (0, 0)),
            pl.BlockSpec((64, 67), lambda b: (0, 0)),
            pl.BlockSpec((1, 64), lambda b: (0, 0)),
        ],
        out_specs=[
            pl.BlockSpec((1, N, 128), lambda b: (b, 0, 0)),
            pl.BlockSpec((1, N, 64), lambda b: (b, 0, 0)),
        ],
        out_shape=[
            jax.ShapeDtypeStruct((B, N, 128), jnp.float32),
            jax.ShapeDtypeStruct((B, N, 64), jnp.float32),
        ],
    )(x67, w1, w1x, b1)


def _sel_body(q_ref, x_ref, idx_ref):
    b = pl.program_id(0)
    q = q_ref[0]
    x = x_ref[0]
    tm = q.shape[0]
    n = x.shape[0]
    d2 = (jnp.sum(q * q, axis=1)[:, None] + jnp.sum(x * x, axis=1)[None, :]
          - 2.0 * jnp.einsum("md,nd->mn", q, x))
    mask = (d2 < _R2).astype(jnp.float32)
    prefix = mask
    k = 1
    while k < n:
        prefix = prefix + jnp.concatenate(
            [jnp.zeros((tm, k), jnp.float32), prefix[:, :-k]], axis=1)
        k *= 2
    total = prefix[:, n - 1]
    parts = []
    for s in range(_NSAMPLE):
        cnt = jnp.sum((prefix <= jnp.float32(s)).astype(jnp.float32), axis=1)
        parts.append(cnt[:, None])
    idx = jnp.concatenate(parts, axis=1)
    first = jnp.where(total[:, None] > 0, idx[:, 0:1], 0.0)
    svec = lax.broadcasted_iota(jnp.int32, (1, _NSAMPLE), 1).astype(jnp.float32)
    idx = jnp.where(svec < total[:, None], idx, first)
    idx_ref[0] = idx.astype(jnp.int32) + b * n


def _select(xyz8, tm=256):
    B, N, _ = xyz8.shape
    return pl.pallas_call(
        _sel_body,
        grid=(B, N // tm),
        in_specs=[
            pl.BlockSpec((1, tm, 8), lambda b, i: (b, i, 0)),
            pl.BlockSpec((1, N, 8), lambda b, i: (b, 0, 0)),
        ],
        out_specs=pl.BlockSpec((1, tm, _NSAMPLE), lambda b, i: (b, i, 0)),
        out_shape=jax.ShapeDtypeStruct((B, N, _NSAMPLE), jnp.int32),
    )(xyz8, xyz8)


def _scg_body(u_hbm, idx_hbm, g_hbm, idxv, gbuf, sem):
    nrows = g_hbm.shape[0]
    per_w = nrows // 32
    wid = lax.axis_index("s") * 2 + lax.axis_index("c")
    row0 = wid * per_w

    def it(i, carry):
        p = row0 + i * 128
        pltpu.sync_copy(idx_hbm.at[pl.ds(p, 128)], idxv)
        pltpu.async_copy(u_hbm.at[idxv], gbuf, sem).wait()
        pltpu.sync_copy(gbuf, g_hbm.at[pl.ds(p, 128)])
        return carry

    lax.fori_loop(0, per_w // 128, it, jnp.int32(0))


def _sc_gather(u2d, idxflat):
    BN = u2d.shape[0]
    mesh = plsc.VectorSubcoreMesh(core_axis_name="c", subcore_axis_name="s")
    f = pl.kernel(
        _scg_body,
        out_type=jax.ShapeDtypeStruct((BN * _NSAMPLE, 128), jnp.float32),
        mesh=mesh,
        scratch_types=[
            pltpu.VMEM((128,), jnp.int32),
            pltpu.VMEM((128, 128), jnp.float32),
            pltpu.SemaphoreType.DMA,
        ],
    )
    return f(u2d, idxflat)


def _stats1_body(g_ref, v_ref, o_ref):
    pid = pl.program_id(0)

    @pl.when(pid == 0)
    def _():
        o_ref[...] = jnp.zeros_like(o_ref)

    y = g_ref[...][:, :, :64] + v_ref[...][:, None, :]
    o_ref[0, :] += jnp.sum(y, axis=(0, 1))
    o_ref[1, :] += jnp.sum(y * y, axis=(0, 1))


def _stats1(g3, v2d, tm=512):
    R = g3.shape[0]
    return pl.pallas_call(
        _stats1_body,
        grid=(R // tm,),
        in_specs=[
            pl.BlockSpec((tm, _NSAMPLE, 128), lambda i: (i, 0, 0)),
            pl.BlockSpec((tm, 64), lambda i: (i, 0)),
        ],
        out_specs=pl.BlockSpec((2, 64), lambda i: (0, 0)),
        out_shape=jax.ShapeDtypeStruct((2, 64), jnp.float32),
    )(g3, v2d)


def _fused_body(g_ref, v_ref, a1_ref, d1_ref, w2_ref, mx_ref, mn_ref, st_ref):
    pid = pl.program_id(0)

    @pl.when(pid == 0)
    def _():
        st_ref[...] = jnp.zeros_like(st_ref)

    tm = g_ref.shape[0]
    y1 = g_ref[...][:, :, :64] + v_ref[...][:, None, :]
    a1 = a1_ref[0]
    d1 = d1_ref[0]
    h = y1 * a1[None, None, :] + d1[None, None, :]
    h = jnp.where(h >= 0, h, 0.2 * h)
    h2 = h.reshape(tm * _NSAMPLE, 64)
    y2 = jnp.einsum("rk,ok->ro", h2, w2_ref[...], precision=_HIGH)
    st_ref[0, :] += jnp.sum(y2, axis=0)
    st_ref[1, :] += jnp.sum(y2 * y2, axis=0)
    y23 = y2.reshape(tm, _NSAMPLE, 128)
    mx_ref[...] = jnp.max(y23, axis=1)
    mn_ref[...] = jnp.min(y23, axis=1)


def _fused(g3, v2d, a1, d1, w2, tm=256):
    R = g3.shape[0]
    return pl.pallas_call(
        _fused_body,
        grid=(R // tm,),
        in_specs=[
            pl.BlockSpec((tm, _NSAMPLE, 128), lambda i: (i, 0, 0)),
            pl.BlockSpec((tm, 64), lambda i: (i, 0)),
            pl.BlockSpec((1, 64), lambda i: (0, 0)),
            pl.BlockSpec((1, 64), lambda i: (0, 0)),
            pl.BlockSpec((128, 64), lambda i: (0, 0)),
        ],
        out_specs=[
            pl.BlockSpec((tm, 128), lambda i: (i, 0)),
            pl.BlockSpec((tm, 128), lambda i: (i, 0)),
            pl.BlockSpec((2, 128), lambda i: (0, 0)),
        ],
        out_shape=[
            jax.ShapeDtypeStruct((R, 128), jnp.float32),
            jax.ShapeDtypeStruct((R, 128), jnp.float32),
            jax.ShapeDtypeStruct((2, 128), jnp.float32),
        ],
    )(g3, v2d, a1, d1, w2)


def _final_body(mx_ref, mn_ref, a2_ref, d2_ref, o_ref):
    a2 = a2_ref[0]
    d2 = d2_ref[0]
    sel = jnp.where((a2 >= 0)[None, :], mx_ref[...], mn_ref[...])
    o = sel * a2[None, :] + d2[None, :]
    o_ref[...] = jnp.where(o >= 0, o, 0.2 * o)


def _final(mx, mn, a2, d2, tm=1024):
    R = mx.shape[0]
    return pl.pallas_call(
        _final_body,
        grid=(R // tm,),
        in_specs=[
            pl.BlockSpec((tm, 128), lambda i: (i, 0)),
            pl.BlockSpec((tm, 128), lambda i: (i, 0)),
            pl.BlockSpec((1, 128), lambda i: (0, 0)),
            pl.BlockSpec((1, 128), lambda i: (0, 0)),
        ],
        out_specs=pl.BlockSpec((tm, 128), lambda i: (i, 0)),
        out_shape=jax.ShapeDtypeStruct((R, 128), jnp.float32),
    )(mx, mn, a2, d2)


def kernel(feats, xyz, W1, b1, g1, be1, W2, b2, g2, be2):
    B, C, N = feats.shape
    BN = B * N
    NT = jnp.float32(BN * _NSAMPLE)

    feats_nc = jnp.transpose(feats, (0, 2, 1))
    xyz8 = jnp.concatenate([xyz, jnp.zeros((B, N, 5), jnp.float32)], axis=-1)
    x67 = jnp.concatenate([feats_nc, xyz / _RADIUS], axis=-1)
    w1x = jnp.concatenate(
        [jnp.zeros((64, C), jnp.float32), W1[:, C:]], axis=-1)

    u, v = _prep(x67, W1, w1x, b1.reshape(1, 64))
    u2d = u.reshape(BN, 128)
    v2d = v.reshape(BN, 64)

    idx = _select(xyz8)
    idxflat = idx.reshape(BN * _NSAMPLE)
    g = _sc_gather(u2d, idxflat)
    g3 = g.reshape(BN, _NSAMPLE, 128)

    st1 = _stats1(g3, v2d)
    mean1 = st1[0] / NT
    var1 = st1[1] / NT - mean1 * mean1
    a1 = g1 / jnp.sqrt(var1 + _EPS)
    d1 = be1 - a1 * mean1

    mx, mn, st2 = _fused(g3, v2d, a1.reshape(1, 64), d1.reshape(1, 64), W2)
    mean2 = st2[0] / NT
    var2 = st2[1] / NT - mean2 * mean2
    a2 = g2 / jnp.sqrt(var2 + _EPS)
    d2 = be2 - a2 * mean2

    o = _final(mx, mn, a2.reshape(1, 128), d2.reshape(1, 128))
    out_feats = jnp.transpose(o.reshape(B, N, 128), (0, 2, 1))
    return (out_feats, xyz)

# --- scband reference (transcript-rebuilt; emitter-appended) ---
"""Pipeline reference for scband-samodule-37306085933343 (READ-ONLY COPY).

The authoritative reference and input builder live on the scoring server;
editing this copy changes nothing except your own understanding.
"""

import jax, jax.numpy as jnp
import numpy as np

RADIUS = 0.2
NSAMPLE = 32
EPS = 1e-5


def ball_query(radius, nsample, xyz, new_xyz):
    # xyz: [B, N, 3], new_xyz: [B, M, 3] -> idx int32 [B, M, nsample]
    B, N, _ = xyz.shape
    d2 = (jnp.sum(new_xyz ** 2, axis=-1)[:, :, None]
          + jnp.sum(xyz ** 2, axis=-1)[:, None, :]
          - 2.0 * jnp.einsum('bmd,bnd->bmn', new_xyz, xyz))  # [B, M, N]
    in_ball = d2 < (radius ** 2)
    cand = jnp.where(in_ball, jnp.arange(N, dtype=jnp.int32)[None, None, :], N)
    cand = jnp.sort(cand, axis=-1)[:, :, :nsample]  # first nsample indices in ball
    first = cand[:, :, :1]
    idx = jnp.where(cand == N, first, cand)  # pad with first neighbor (pn2 semantics)
    idx = jnp.where(idx == N, 0, idx)       # degenerate fallback (empty ball)
    return idx.astype(jnp.int32)


def grouping_operation(feats, idx):
    # feats: [B, C, N], idx: [B, M, S] -> [B, C, M, S]
    return jax.vmap(lambda f, i: f[:, i])(feats, idx)


def conv_bn_lrelu(x, W, b, g, be):
    # 1x1 Conv2d + BatchNorm2d (training-mode batch stats) + LeakyReLU(0.2)
    y = jnp.einsum('oc,bcms->boms', W, x) + b[None, :, None, None]
    mean = jnp.mean(y, axis=(0, 2, 3), keepdims=True)
    var = jnp.var(y, axis=(0, 2, 3), keepdims=True)
    y = (y - mean) / jnp.sqrt(var + EPS)
    y = y * g[None, :, None, None] + be[None, :, None, None]
    return jnp.where(y >= 0, y, 0.2 * y)


def setup_inputs(seed: int = 0):
    key = jax.random.key(seed)
    ks = jax.random.split(key, 6)
    B, C, N = 8, 64, 2048
    c_in = C + 3  # channels[0] += 3 in __init__
    feats = jax.random.normal(ks[0], (B, C, N), dtype=jnp.float32)
    xyz = jax.random.uniform(ks[1], (B, N, 3), dtype=jnp.float32)
    W1 = jax.random.normal(ks[2], (64, c_in), dtype=jnp.float32) * (1.0 / np.sqrt(c_in))
    b1 = jnp.zeros((64,), jnp.float32)
    g1 = jnp.ones((64,), jnp.float32)
    be1 = jnp.zeros((64,), jnp.float32)
    W2 = jax.random.normal(ks[3], (128, 64), dtype=jnp.float32) * (1.0 / np.sqrt(64))
    b2 = jnp.zeros((128,), jnp.float32)
    g2 = jnp.ones((128,), jnp.float32)
    be2 = jnp.zeros((128,), jnp.float32)
    return {"feats": feats, "xyz": xyz, "W1": W1, "b1": b1, "g1": g1, "be1": be1,
            "W2": W2, "b2": b2, "g2": g2, "be2": be2}


def reference(feats, xyz, W1, b1, g1, be1, W2, b2, g2, be2):
    # feats: [B, C, N], xyz: [B, N, 3]; new_xyz=None -> new_xyz=xyz
    new_xyz = xyz
    xyz_q = jnp.transpose(xyz, (0, 2, 1))        # [B, 3, N]
    new_xyz_q = jnp.transpose(new_xyz, (0, 2, 1))  # [B, 3, M]
    neb_ids = ball_query(RADIUS, NSAMPLE, xyz, new_xyz)        # [B, M, S]
    neb_feats = grouping_operation(feats, neb_ids)             # [B, C, M, S]
    neb_xyz = grouping_operation(xyz_q, neb_ids)               # [B, 3, M, S]
    neb_xyz = (neb_xyz - new_xyz_q[:, :, :, None]) / RADIUS
    h = jnp.concatenate([neb_feats, neb_xyz], axis=1)          # [B, C+3, M, S]
    h = conv_bn_lrelu(h, W1, b1, g1, be1)
    h = conv_bn_lrelu(h, W2, b2, g2, be2)
    out_feats = jnp.max(h, axis=-1)                            # MaxPool2d([1, nsample]) + squeeze
    return (out_feats, new_xyz)

if __name__ == "__main__":
    import jax
    _d = setup_inputs()
    print(jax.jit(kernel)(*tuple(_d.values())))

</pallas_src>

<mosaic_0001>
#map = affine_map<(d0, d1) -> (0, 0)>
#map1 = affine_map<(d0, d1) -> (0)>
module attributes {stable_mosaic.version = 14 : i64} {
  func.func @_scg_body(%arg0: i32, %arg1: i32, %arg2: memref<16384x128xf32, #tpu.memory_space<hbm>>, %arg3: memref<524288xi32, #tpu.memory_space<hbm>>, %arg4: memref<524288x128xf32, #tpu.memory_space<hbm>>, %arg5: memref<128xi32, #tpu.memory_space<vmem>>, %arg6: memref<128x128xf32, #tpu.memory_space<vmem>>, %arg7: memref<!tpu.dma_semaphore, #tpu.memory_space<semaphore_mem>>) attributes {dimension_semantics = [#tpu.dimension_semantics<core_parallel>, #tpu.dimension_semantics<subcore_parallel>], iteration_bounds = array<i64: 2, 16>, scalar_prefetch = 0 : i64, scratch_operands = 3 : i64, tpu.core_type = #tpu.core_type<sc_vector_subcore>, window_params = [{transform_indices = #map}, {transform_indices = #map1}, {transform_indices = #map}]} {
    %mul3A = arith.constant 2 : i32
    %mul3A_0 = arith.muli %arg1, %mul3A : i32
    %add3A = arith.addi %mul3A_0, %arg0 : i32
    %mul3A_1 = arith.constant 16384 : i32
    %mul3A_2 = arith.muli %add3A, %mul3A_1 : i32
    %scan3A = arith.constant 0 : i32
    %scan3A_3 = arith.constant 0 : i32
    %scan3A_4 = arith.constant 128 : i32
    %scan3A_5 = arith.addi %scan3A_3, %scan3A_4 : i32
    %scan3A_6 = arith.constant 1 : i32
    scf.for %scan3A_8 = %scan3A_3 to %scan3A_5 step %scan3A_6  : i32 {
      %mul3A_9 = arith.constant 128 : i32
      %mul3A_10 = arith.muli %scan3A_8, %mul3A_9 : i32
      %add3A_11 = arith.addi %mul3A_2, %mul3A_10 : i32
      "tpu.region"() ({
        %run_scoped3A = tpu.sem_alloc : memref<!tpu.dma_semaphore, #tpu.memory_space<semaphore_mem>>
        %dma_start3A_16 = tpu.memref_slice %arg3[%add3A_11] : memref<524288xi32, #tpu.memory_space<hbm>> -> memref<128xi32, #tpu.memory_space<hbm>>
        %dma_start3A_17 = tpu.memref_slice %arg3[%add3A_11] : memref<524288xi32, #tpu.memory_space<hbm>> -> memref<128xi32, #tpu.memory_space<hbm>>
        tpu.enqueue_dma source(%dma_start3A_17 : memref<128xi32, #tpu.memory_space<hbm>>) target(%arg5 : memref<128xi32, #tpu.memory_space<vmem>>) target_semaphore(%run_scoped3A : memref<!tpu.dma_semaphore, #tpu.memory_space<semaphore_mem>>)
        %dma_wait3A_18 = tpu.memref_slice %arg3[%add3A_11] : memref<524288xi32, #tpu.memory_space<hbm>> -> memref<128xi32, #tpu.memory_space<hbm>>
        %dma_wait3A_19 = tpu.memref_slice %arg3[%add3A_11] : memref<524288xi32, #tpu.memory_space<hbm>> -> memref<128xi32, #tpu.memory_space<hbm>>
        tpu.wait_dma2 semaphore(%run_scoped3A : memref<!tpu.dma_semaphore, #tpu.memory_space<semaphore_mem>>) src(%dma_wait3A_19 : memref<128xi32, #tpu.memory_space<hbm>>) dst(%arg5 : memref<128xi32, #tpu.memory_space<vmem>>)
        tpu.yield
      }) : () -> ()
      %dma_start3A = arith.constant 0 : i32
      %dma_start3A_12 = arith.constant 0 : i32
      %dma_start3A_13 = tpu.memref_slice %arg2[%dma_start3A, %dma_start3A_12] : memref<16384x128xf32, #tpu.memory_space<hbm>> -> memref<16384x128xf32, #tpu.memory_space<hbm>>
      tpu.enqueue_indirect_dma source(%dma_start3A_13 : memref<16384x128xf32, #tpu.memory_space<hbm>>) target(%arg6 : memref<128x128xf32, #tpu.memory_space<vmem>>) offsets(%arg5 : memref<128xi32, #tpu.memory_space<vmem>>) semaphore(%arg7 : memref<!tpu.dma_semaphore, #tpu.memory_space<semaphore_mem>>)
      %dma_wait3A = arith.constant 0 : i32
      %dma_wait3A_14 = arith.constant 0 : i32
      %dma_wait3A_15 = tpu.memref_slice %arg2[%dma_wait3A, %dma_wait3A_14] : memref<16384x128xf32, #tpu.memory_space<hbm>> -> memref<16384x128xf32, #tpu.memory_space<hbm>>
      tpu.wait_indirect_dma semaphore(%arg7 : memref<!tpu.dma_semaphore, #tpu.memory_space<semaphore_mem>>) src(%dma_wait3A_15 : memref<16384x128xf32, #tpu.memory_space<hbm>>) dst(%arg6 : memref<128x128xf32, #tpu.memory_space<vmem>>)
      "tpu.region"() ({
        %run_scoped3A = tpu.sem_alloc : memref<!tpu.dma_semaphore, #tpu.memory_space<semaphore_mem>>
        %dma_start3A_16 = arith.constant 0 : i32
        %dma_start3A_17 = tpu.memref_slice %arg4[%add3A_11, %dma_start3A_16] : memref<524288x128xf32, #tpu.memory_space<hbm>> -> memref<128x128xf32, #tpu.memory_space<hbm>>
        %dma_start3A_18 = arith.constant 0 : i32
        %dma_start3A_19 = tpu.memref_slice %arg4[%add3A_11, %dma_start3A_18] : memref<524288x128xf32, #tpu.memory_space<hbm>> -> memref<128x128xf32, #tpu.memory_space<hbm>>
        tpu.enqueue_dma source(%arg6 : memref<128x128xf32, #tpu.memory_space<vmem>>) target(%dma_start3A_19 : memref<128x128xf32, #tpu.memory_space<hbm>>) target_semaphore(%run_scoped3A : memref<!tpu.dma_semaphore, #tpu.memory_space<semaphore_mem>>)
        %dma_wait3A_20 = arith.constant 0 : i32
        %dma_wait3A_21 = tpu.memref_slice %arg4[%add3A_11, %dma_wait3A_20] : memref<524288x128xf32, #tpu.memory_space<hbm>> -> memref<128x128xf32, #tpu.memory_space<hbm>>
        %dma_wait3A_22 = arith.constant 0 : i32
        %dma_wait3A_23 = tpu.memref_slice %arg4[%add3A_11, %dma_wait3A_22] : memref<524288x128xf32, #tpu.memory_space<hbm>> -> memref<128x128xf32, #tpu.memory_space<hbm>>
        tpu.wait_dma2 semaphore(%run_scoped3A : memref<!tpu.dma_semaphore, #tpu.memory_space<semaphore_mem>>) src(%arg6 : memref<128x128xf32, #tpu.memory_space<vmem>>) dst(%dma_wait3A_23 : memref<128x128xf32, #tpu.memory_space<hbm>>)
        tpu.yield
      }) : () -> ()
    }
    %scan3A_7 = arith.constant 128 : i32
    return
  }
}

module attributes {stable_mosaic.version = 14 : i64} {
  func.func @_sel_body(%arg0: i32, %arg1: i32, %arg2: memref<1x256x8xf32, #tpu.memory_space<vmem>>, %arg3: memref<1x2048x8xf32, #tpu.memory_space<vmem>>, %arg4: memref<1x256x32xi32, #tpu.memory_space<vmem>>) attributes {dimension_semantics = [#tpu.dimension_semantics<arbitrary>, #tpu.dimension_semantics<arbitrary>], iteration_bounds = array<i64: 8, 8>, scalar_prefetch = 0 : i64, scratch_operands = 0 : i64, tpu.core_type = #tpu.core_type<tc>, window_params = [{transform_indices = @transform_0, window_bounds = array<i64: 1, 256, 8>}, {transform_indices = @transform_1, window_bounds = array<i64: 1, 2048, 8>}, {transform_indices = @transform_2, window_bounds = array<i64: 1, 256, 32>}]} {
    %get3A = arith.constant 0 : index
    %get3A_0 = arith.constant 0 : index
    %get3A_1 = arith.constant 0 : index
    %get3A_2 = vector.load %arg2[%get3A, %get3A_0, %get3A_1] : memref<1x256x8xf32, #tpu.memory_space<vmem>>, vector<1x256x8xf32>
    %get3A_3 = vector.shape_cast %get3A_2 : vector<1x256x8xf32> to vector<256x8xf32>
    %get3A_4 = arith.constant 0 : index
    %get3A_5 = arith.constant 0 : index
    %get3A_6 = arith.constant 0 : index
    %get3A_7 = vector.load %arg3[%get3A_4, %get3A_5, %get3A_6] : memref<1x2048x8xf32, #tpu.memory_space<vmem>>, vector<1x2048x8xf32>
    %get3A_8 = vector.shape_cast %get3A_7 : vector<1x2048x8xf32> to vector<2048x8xf32>
    %mul3A = arith.mulf %get3A_3, %get3A_3 : vector<256x8xf32>
    %reduce_sum3A = arith.constant dense<0.000000e+00> : vector<256xf32>
    %reduce_sum3A_9 = vector.multi_reduction <add>, %mul3A, %reduce_sum3A [1] : vector<256x8xf32> to vector<256xf32>
    %broadcast_in_dim3A = vector.shape_cast %reduce_sum3A_9 : vector<256xf32> to vector<256x1xf32>
    %mul3A_10 = arith.mulf %get3A_8, %get3A_8 : vector<2048x8xf32>
    %reduce_sum3A_11 = arith.constant dense<0.000000e+00> : vector<2048xf32>
    %reduce_sum3A_12 = vector.multi_reduction <add>, %mul3A_10, %reduce_sum3A_11 [1] : vector<2048x8xf32> to vector<2048xf32>
    %broadcast_in_dim3A_13 = vector.shape_cast %reduce_sum3A_12 : vector<2048xf32> to vector<1x2048xf32>
    %add3A = vector.broadcast %broadcast_in_dim3A : vector<256x1xf32> to vector<256x2048xf32>
    %add3A_14 = vector.broadcast %broadcast_in_dim3A_13 : vector<1x2048xf32> to vector<256x2048xf32>
    %add3A_15 = arith.addf %add3A, %add3A_14 : vector<256x2048xf32>
    "tpu.trace_start"() <{level = 10 : i32, message = "md,nd->mn"}> : () -> ()
    %dot_general3A = arith.constant dense<0.000000e+00> : vector<256x2048xf32>
    %dot_general3A_16 = tpu.matmul %get3A_3, %get3A_8, %dot_general3A {dimension_numbers = #tpu.dot_dimension_numbers<[1], [1], [0], [0], [0, 0, 1, 0], [], []>, transpose_lhs_hint = false} : vector<256x8xf32>, vector<2048x8xf32>, vector<256x2048xf32> -> vector<256x2048xf32>
    "tpu.trace_stop"() : () -> ()
    %mul3A_17 = arith.constant 2.000000e+00 : f32
    %mul3A_18 = vector.broadcast %mul3A_17 : f32 to vector<256x2048xf32>
    %mul3A_19 = arith.mulf %mul3A_18, %dot_general3A_16 : vector<256x2048xf32>
    %sub3A = arith.subf %add3A_15, %mul3A_19 : vector<256x2048xf32>
    %lt3A = arith.constant 4.000000e-02 : f32
    %lt3A_20 = vector.broadcast %lt3A : f32 to vector<256x2048xf32>
    %lt3A_21 = arith.cmpf olt, %sub3A, %lt3A_20 : vector<256x2048xf32>
    %convert_element_type3A = arith.extui %lt3A_21 : vector<256x2048xi1> to vector<256x2048xi32>
    %convert_element_type3A_22 = arith.sitofp %convert_element_type3A : vector<256x2048xi32> to vector<256x2048xf32>
    %broadcast_in_dim3A_23 = arith.constant 0.000000e+00 : f32
    %broadcast_in_dim3A_24 = vector.broadcast %broadcast_in_dim3A_23 : f32 to vector<256x1xf32>
    %slice3A = vector.extract_strided_slice %convert_element_type3A_22 {offsets = [0, 0], sizes = [256, 2047], strides = [1, 1]} : vector<256x2048xf32> to vector<256x2047xf32>
    %concatenate3A = tpu.concatenate %broadcast_in_dim3A_24, %slice3A in 1 : vector<256x1xf32>, vector<256x2047xf32> -> vector<256x2048xf32>
    %add3A_25 = arith.addf %convert_element_type3A_22, %concatenate3A : vector<256x2048xf32>
    %broadcast_in_dim3A_26 = arith.constant 0.000000e+00 : f32
    %broadcast_in_dim3A_27 = vector.broadcast %broadcast_in_dim3A_26 : f32 to vector<256x2xf32>
    %slice3A_28 = vector.extract_strided_slice %add3A_25 {offsets = [0, 0], sizes = [256, 2046], strides = [1, 1]} : vector<256x2048xf32> to vector<256x2046xf32>
    %concatenate3A_29 = tpu.concatenate %broadcast_in_dim3A_27, %slice3A_28 in 1 : vector<256x2xf32>, vector<256x2046xf32> -> vector<256x2048xf32>
    %add3A_30 = arith.addf %add3A_25, %concatenate3A_29 : vector<256x2048xf32>
    %broadcast_in_dim3A_31 = arith.constant 0.000000e+00 : f32
    %broadcast_in_dim3A_32 = vector.broadcast %broadcast_in_dim3A_31 : f32 to vector<256x4xf32>
    %slice3A_33 = vector.extract_strided_slice %add3A_30 {offsets = [0, 0], sizes = [256, 2044], strides = [1, 1]} : vector<256x2048xf32> to vector<256x2044xf32>
    %concatenate3A_34 = tpu.concatenate %broadcast_in_dim3A_32, %slice3A_33 in 1 : vector<256x4xf32>, vector<256x2044xf32> -> vector<256x2048xf32>
    %add3A_35 = arith.addf %add3A_30, %concatenate3A_34 : vector<256x2048xf32>
    %broadcast_in_dim3A_36 = arith.constant 0.000000e+00 : f32
    %broadcast_in_dim3A_37 = vector.broadcast %broadcast_in_dim3A_36 : f32 to vector<256x8xf32>
    %slice3A_38 = vector.extract_strided_slice %add3A_35 {offsets = [0, 0], sizes = [256, 2040], strides = [1, 1]} : vector<256x2048xf32> to vector<256x2040xf32>
    %concatenate3A_39 = tpu.concatenate %broadcast_in_dim3A_37, %slice3A_38 in 1 : vector<256x8xf32>, vector<256x2040xf32> -> vector<256x2048xf32>
    %add3A_40 = arith.addf %add3A_35, %concatenate3A_39 : vector<256x2048xf32>
    %broadcast_in_dim3A_41 = arith.constant 0.000000e+00 : f32
    %broadcast_in_dim3A_42 = vector.broadcast %broadcast_in_dim3A_41 : f32 to vector<256x16xf32>
    %slice3A_43 = vector.extract_strided_slice %add3A_40 {offsets = [0, 0], sizes = [256, 2032], strides = [1, 1]} : vector<256x2048xf32> to vector<256x2032xf32>
    %concatenate3A_44 = tpu.concatenate %broadcast_in_dim3A_42, %slice3A_43 in 1 : vector<256x16xf32>, vector<256x2032xf32> -> vector<256x2048xf32>
    %add3A_45 = arith.addf %add3A_40, %concatenate3A_44 : vector<256x2048xf32>
    %broadcast_in_dim3A_46 = arith.constant 0.000000e+00 : f32
    %broadcast_in_dim3A_47 = vector.broadcast %broadcast_in_dim3A_46 : f32 to vector<256x32xf32>
    %slice3A_48 = vector.extract_strided_slice %add3A_45 {offsets = [0, 0], sizes = [256, 2016], strides = [1, 1]} : vector<256x2048xf32> to vector<256x2016xf32>
    %concatenate3A_49 = tpu.concatenate %broadcast_in_dim3A_47, %slice3A_48 in 1 : vector<256x32xf32>, vector<256x2016xf32> -> vector<256x2048xf32>
    %add3A_50 = arith.addf %add3A_45, %concatenate3A_49 : vector<256x2048xf32>
    %broadcast_in_dim3A_51 = arith.constant 0.000000e+00 : f32
    %broadcast_in_dim3A_52 = vector.broadcast %broadcast_in_dim3A_51 : f32 to vector<256x64xf32>
    %slice3A_53 = vector.extract_strided_slice %add3A_50 {offsets = [0, 0], sizes = [256, 1984], strides = [1, 1]} : vector<256x2048xf32> to vector<256x1984xf32>
    %concatenate3A_54 = tpu.concatenate %broadcast_in_dim3A_52, %slice3A_53 in 1 : vector<256x64xf32>, vector<256x1984xf32> -> vector<256x2048xf32>
    %add3A_55 = arith.addf %add3A_50, %concatenate3A_54 : vector<256x2048xf32>
    %broadcast_in_dim3A_56 = arith.constant 0.000000e+00 : f32
    %broadcast_in_dim3A_57 = vector.broadcast %broadcast_in_dim3A_56 : f32 to vector<256x128xf32>
    %slice3A_58 = vector.extract_strided_slice %add3A_55 {offsets = [0, 0], sizes = [256, 1920], strides = [1, 1]} : vector<256x2048xf32> to vector<256x1920xf32>
    %concatenate3A_59 = tpu.concatenate %broadcast_in_dim3A_57, %slice3A_58 in 1 : vector<256x128xf32>, vector<256x1920xf32> -> vector<256x2048xf32>
    %add3A_60 = arith.addf %add3A_55, %concatenate3A_59 : vector<256x2048xf32>
    %broadcast_in_dim3A_61 = arith.constant 0.000000e+00 : f32
    %broadcast_in_dim3A_62 = vector.broadcast %broadcast_in_dim3A_61 : f32 to vector<256x256xf32>
    %slice3A_63 = vector.extract_strided_slice %add3A_60 {offsets = [0, 0], sizes = [256, 1792], strides = [1, 1]} : vector<256x2048xf32> to vector<256x1792xf32>
    %concatenate3A_64 = tpu.concatenate %broadcast_in_dim3A_62, %slice3A_63 in 1 : vector<256x256xf32>, vector<256x1792xf32> -> vector<256x2048xf32>
    %add3A_65 = arith.addf %add3A_60, %concatenate3A_64 : vector<256x2048xf32>
    %broadcast_in_dim3A_66 = arith.constant 0.000000e+00 : f32
    %broadcast_in_dim3A_67 = vector.broadcast %broadcast_in_dim3A_66 : f32 to vector<256x512xf32>
    %slice3A_68 = vector.extract_strided_slice %add3A_65 {offsets = [0, 0], sizes = [256, 1536], strides = [1, 1]} : vector<256x2048xf32> to vector<256x1536xf32>
    %concatenate3A_69 = tpu.concatenate %broadcast_in_dim3A_67, %slice3A_68 in 1 : vector<256x512xf32>, vector<256x1536xf32> -> vector<256x2048xf32>
    %add3A_70 = arith.addf %add3A_65, %concatenate3A_69 : vector<256x2048xf32>
    %broadcast_in_dim3A_71 = arith.constant 0.000000e+00 : f32
    %broadcast_in_dim3A_72 = vector.broadcast %broadcast_in_dim3A_71 : f32 to vector<256x1024xf32>
    %slice3A_73 = vector.extract_strided_slice %add3A_70 {offsets = [0, 0], sizes = [256, 1024], strides = [1, 1]} : vector<256x2048xf32> to vector<256x1024xf32>
    %concatenate3A_74 = tpu.concatenate %broadcast_in_dim3A_72, %slice3A_73 in 1 : vector<256x1024xf32>, vector<256x1024xf32> -> vector<256x2048xf32>
    %add3A_75 = arith.addf %add3A_70, %concatenate3A_74 : vector<256x2048xf32>
    %slice3A_76 = vector.extract_strided_slice %add3A_75 {offsets = [0, 2047], sizes = [256, 1], strides = [1, 1]} : vector<256x2048xf32> to vector<256x1xf32>
    %squeeze3A = vector.shape_cast %slice3A_76 : vector<256x1xf32> to vector<256xf32>
    %le3A = arith.constant 0.000000e+00 : f32
    %le3A_77 = vector.broadcast %le3A : f32 to vector<256x2048xf32>
    %le3A_78 = arith.cmpf ole, %add3A_75, %le3A_77 : vector<256x2048xf32>
    %convert_element_type3A_79 = arith.extui %le3A_78 : vector<256x2048xi1> to vector<256x2048xi32>
    %convert_element_type3A_80 = arith.sitofp %convert_element_type3A_79 : vector<256x2048xi32> to vector<256x2048xf32>
    %reduce_sum3A_81 = arith.constant dense<0.000000e+00> : vector<256xf32>
    %reduce_sum3A_82 = vector.multi_reduction <add>, %convert_element_type3A_80, %reduce_sum3A_81 [1] : vector<256x2048xf32> to vector<256xf32>
    %broadcast_in_dim3A_83 = vector.shape_cast %reduce_sum3A_82 : vector<256xf32> to vector<256x1xf32>
    %le3A_84 = arith.constant 1.000000e+00 : f32
    %le3A_85 = vector.broadcast %le3A_84 : f32 to vector<256x2048xf32>
    %le3A_86 = arith.cmpf ole, %add3A_75, %le3A_85 : vector<256x2048xf32>
    %convert_element_type3A_87 = arith.extui %le3A_86 : vector<256x2048xi1> to vector<256x2048xi32>
    %convert_element_type3A_88 = arith.sitofp %convert_element_type3A_87 : vector<256x2048xi32> to vector<256x2048xf32>
    %reduce_sum3A_89 = arith.constant dense<0.000000e+00> : vector<256xf32>
    %reduce_sum3A_90 = vector.multi_reduction <add>, %convert_element_type3A_88, %reduce_sum3A_89 [1] : vector<256x2048xf32> to vector<256xf32>
    %broadcast_in_dim3A_91 = vector.shape_cast %reduce_sum3A_90 : vector<256xf32> to vector<256x1xf32>
    %le3A_92 = arith.constant 2.000000e+00 : f32
    %le3A_93 = vector.broadcast %le3A_92 : f32 to vector<256x2048xf32>
    %le3A_94 = arith.cmpf ole, %add3A_75, %le3A_93 : vector<256x2048xf32>
    %convert_element_type3A_95 = arith.extui %le3A_94 : vector<256x2048xi1> to vector<256x2048xi32>
    %convert_element_type3A_96 = arith.sitofp %convert_element_type3A_95 : vector<256x2048xi32> to vector<256x2048xf32>
    %reduce_sum3A_97 = arith.constant dense<0.000000e+00> : vector<256xf32>
    %reduce_sum3A_98 = vector.multi_reduction <add>, %convert_element_type3A_96, %reduce_sum3A_97 [1] : vector<256x2048xf32> to vector<256xf32>
    %broadcast_in_dim3A_99 = vector.shape_cast %reduce_sum3A_98 : vector<256xf32> to vector<256x1xf32>
    %le3A_100 = arith.constant 3.000000e+00 : f32
    %le3A_101 = vector.broadcast %le3A_100 : f32 to vector<256x2048xf32>
    %le3A_102 = arith.cmpf ole, %add3A_75, %le3A_101 : vector<256x2048xf32>
    %convert_element_type3A_103 = arith.extui %le3A_102 : vector<256x2048xi1> to vector<256x2048xi32>
    %convert_element_type3A_104 = arith.sitofp %convert_element_type3A_103 : vector<256x2048xi32> to vector<256x2048xf32>
    %reduce_sum3A_105 = arith.constant dense<0.000000e+00> : vector<256xf32>
    %reduce_sum3A_106 = vector.multi_reduction <add>, %convert_element_type3A_104, %reduce_sum3A_105 [1] : vector<256x2048xf32> to vector<256xf32>
    %broadcast_in_dim3A_107 = vector.shape_cast %reduce_sum3A_106 : vector<256xf32> to vector<256x1xf32>
    %le3A_108 = arith.constant 4.000000e+00 : f32
    %le3A_109 = vector.broadcast %le3A_108 : f32 to vector<256x2048xf32>
    %le3A_110 = arith.cmpf ole, %add3A_75, %le3A_109 : vector<256x2048xf32>
    %convert_element_type3A_111 = arith.extui %le3A_110 : vector<256x2048xi1> to vector<256x2048xi32>
    %convert_element_type3A_112 = arith.sitofp %convert_element_type3A_111 : vector<256x2048xi32> to vector<256x2048xf32>
    %reduce_sum3A_113 = arith.constant dense<0.000000e+00> : vector<256xf32>
    %reduce_sum3A_114 = vector.multi_reduction <add>, %convert_element_type3A_112, %reduce_sum3A_113 [1] : vector<256x2048xf32> to vector<256xf32>
    %broadcast_in_dim3A_115 = vector.shape_cast %reduce_sum3A_114 : vector<256xf32> to vector<256x1xf32>
    %le3A_116 = arith.constant 5.000000e+00 : f32
    %le3A_117 = vector.broadcast %le3A_116 : f32 to vector<256x2048xf32>
    %le3A_118 = arith.cmpf ole, %add3A_75, %le3A_117 : vector<256x2048xf32>
    %convert_element_type3A_119 = arith.extui %le3A_118 : vector<256x2048xi1> to vector<256x2048xi32>
    %convert_element_type3A_120 = arith.sitofp %convert_element_type3A_119 : vector<256x2048xi32> to vector<256x2048xf32>
    %reduce_sum3A_121 = arith.constant dense<0.000000e+00> : vector<256xf32>
    %reduce_sum3A_122 = vector.multi_reduction <add>, %convert_element_type3A_120, %reduce_sum3A_121 [1] : vector<256x2048xf32> to vector<256xf32>
    %broadcast_in_dim3A_123 = vector.shape_cast %reduce_sum3A_122 : vector<256xf32> to vector<256x1xf32>
    %le3A_124 = arith.constant 6.000000e+00 : f32
    %le3A_125 = vector.broadcast %le3A_124 : f32 to vector<256x2048xf32>
    %le3A_126 = arith.cmpf ole, %add3A_75, %le3A_125 : vector<256x2048xf32>
    %convert_element_type3A_127 = arith.extui %le3A_126 : vector<256x2048xi1> to vector<256x2048xi32>
    %convert_element_type3A_128 = arith.sitofp %convert_element_type3A_127 : vector<256x2048xi32> to vector<256x2048xf32>
    %reduce_sum3A_129 = arith.constant dense<0.000000e+00> : vector<256xf32>
    %reduce_sum3A_130 = vector.multi_reduction <add>, %convert_element_type3A_128, %reduce_sum3A_129 [1] : vector<256x2048xf32> to vector<256xf32>
    %broadcast_in_dim3A_131 = vector.shape_cast %reduce_sum3A_130 : vector<256xf32> to vector<256x1xf32>
    %le3A_132 = arith.constant 7.000000e+00 : f32
    %le3A_133 = vector.broadcast %le3A_132 : f32 to vector<256x2048xf32>
    %le3A_134 = arith.cmpf ole, %add3A_75, %le3A_133 : vector<256x2048xf32>
    %convert_element_type3A_135 = arith.extui %le3A_134 : vector<256x2048xi1> to vector<256x2048xi32>
    %convert_element_type3A_136 = arith.sitofp %convert_element_type3A_135 : vector<256x2048xi32> to vector<256x2048xf32>
    %reduce_sum3A_137 = arith.constant dense<0.000000e+00> : vector<256xf32>
    %reduce_sum3A_138 = vector.multi_reduction <add>, %convert_element_type3A_136, %reduce_sum3A_137 [1] : vector<256x2048xf32> to vector<256xf32>
    %broadcast_in_dim3A_139 = vector.shape_cast %reduce_sum3A_138 : vector<256xf32> to vector<256x1xf32>
    %le3A_140 = arith.constant 8.000000e+00 : f32
    %le3A_141 = vector.broadcast %le3A_140 : f32 to vector<256x2048xf32>
    %le3A_142 = arith.cmpf ole, %add3A_75, %le3A_141 : vector<256x2048xf32>
    %convert_element_type3A_143 = arith.extui %le3A_142 : vector<256x2048xi1> to vector<256x2048xi32>
    %convert_element_type3A_144 = arith.sitofp %convert_element_type3A_143 : vector<256x2048xi32> to vector<256x2048xf32>
    %reduce_sum3A_145 = arith.constant dense<0.000000e+00> : vector<256xf32>
    %reduce_sum3A_146 = vector.multi_reduction <add>, %convert_element_type3A_144, %reduce_sum3A_145 [1] : vector<256x2048xf32> to vector<256xf32>
    %broadcast_in_dim3A_147 = vector.shape_cast %reduce_sum3A_146 : vector<256xf32> to vector<256x1xf32>
    %le3A_148 = arith.constant 9.000000e+00 : f32
    %le3A_149 = vector.broadcast %le3A_148 : f32 to vector<256x2048xf32>
    %le3A_150 = arith.cmpf ole, %add3A_75, %le3A_149 : vector<256x2048xf32>
    %convert_element_type3A_151 = arith.extui %le3A_150 : vector<256x2048xi1> to vector<256x2048xi32>
    %convert_element_type3A_152 = arith.sitofp %convert_element_type3A_151 : vector<256x2048xi32> to vector<256x2048xf32>
    %reduce_sum3A_153 = arith.constant dense<0.000000e+00> : vector<256xf32>
    %reduce_sum3A_154 = vector.multi_reduction <add>, %convert_element_type3A_152, %reduce_sum3A_153 [1] : vector<256x2048xf32> to vector<256xf32>
    %broadcast_in_dim3A_155 = vector.shape_cast %reduce_sum3A_154 : vector<256xf32> to vector<256x1xf32>
    %le3A_156 = arith.constant 1.000000e+01 : f32
    %le3A_157 = vector.broadcast %le3A_156 : f32 to vector<256x2048xf32>
    %le3A_158 = arith.cmpf ole, %add3A_75, %le3A_157 : vector<256x2048xf32>
    %convert_element_type3A_159 = arith.extui %le3A_158 : vector<256x2048xi1> to vector<256x2048xi32>
    %convert_element_type3A_160 = arith.sitofp %convert_element_type3A_159 : vector<256x2048xi32> to vector<256x2048xf32>
    %reduce_sum3A_161 = arith.constant dense<0.000000e+00> : vector<256xf32>
    %reduce_sum3A_162 = vector.multi_reduction <add>, %convert_element_type3A_160, %reduce_sum3A_161 [1] : vector<256x2048xf32> to vector<256xf32>
    %broadcast_in_dim3A_163 = vector.shape_cast %reduce_sum3A_162 : vector<256xf32> to vector<256x1xf32>
    %le3A_164 = arith.constant 1.100000e+01 : f32
    %le3A_165 = vector.broadcast %le3A_164 : f32 to vector<256x2048xf32>
    %le3A_166 = arith.cmpf ole, %add3A_75, %le3A_165 : vector<256x2048xf32>
    %convert_element_type3A_167 = arith.extui %le3A_166 : vector<256x2048xi1> to vector<256x2048xi32>
    %convert_element_type3A_168 = arith.sitofp %convert_element_type3A_167 : vector<256x2048xi32> to vector<256x2048xf32>
    %reduce_sum3A_169 = arith.constant dense<0.000000e+00> : vector<256xf32>
    %reduce_sum3A_170 = vector.multi_reduction <add>, %convert_element_type3A_168, %reduce_sum3A_169 [1] : vector<256x2048xf32> to vector<256xf32>
    %broadcast_in_dim3A_171 = vector.shape_cast %reduce_sum3A_170 : vector<256xf32> to vector<256x1xf32>
    %le3A_172 = arith.constant 1.200000e+01 : f32
    %le3A_173 = vector.broadcast %le3A_172 : f32 to vector<256x2048xf32>
    %le3A_174 = arith.cmpf ole, %add3A_75, %le3A_173 : vector<256x2048xf32>
    %convert_element_type3A_175 = arith.extui %le3A_174 : vector<256x2048xi1> to vector<256x2048xi32>
    %convert_element_type3A_176 = arith.sitofp %convert_element_type3A_175 : vector<256x2048xi32> to vector<256x2048xf32>
    %reduce_sum3A_177 = arith.constant dense<0.000000e+00> : vector<256xf32>
    %reduce_sum3A_178 = vector.multi_reduction <add>, %convert_element_type3A_176, %reduce_sum3A_177 [1] : vector<256x2048xf32> to vector<256xf32>
    %broadcast_in_dim3A_179 = vector.shape_cast %reduce_sum3A_178 : vector<256xf32> to vector<256x1xf32>
    %le3A_180 = arith.constant 1.300000e+01 : f32
    %le3A_181 = vector.broadcast %le3A_180 : f32 to vector<256x2048xf32>
    %le3A_182 = arith.cmpf ole, %add3A_75, %le3A_181 : vector<256x2048xf32>
    %convert_element_type3A_183 = arith.extui %le3A_182 : vector<256x2048xi1> to vector<256x2048xi32>
    %convert_element_type3A_184 = arith.sitofp %convert_element_type3A_183 : vector<256x2048xi32> to vector<256x2048xf32>
    %reduce_sum3A_185 = arith.constant dense<0.000000e+00> : vector<256xf32>
    %reduce_sum3A_186 = vector.multi_reduction <add>, %convert_element_type3A_184, %reduce_sum3A_185 [1] : vector<256x2048xf32> to vector<256xf32>
    %broadcast_in_dim3A_187 = vector.shape_cast %reduce_sum3A_186 : vector<256xf32> to vector<256x1xf32>
    %le3A_188 = arith.constant 1.400000e+01 : f32
    %le3A_189 = vector.broadcast %le3A_188 : f32 to vector<256x2048xf32>
    %le3A_190 = arith.cmpf ole, %add3A_75, %le3A_189 : vector<256x2048xf32>
    %convert_element_type3A_191 = arith.extui %le3A_190 : vector<256x2048xi1> to vector<256x2048xi32>
    %convert_element_type3A_192 = arith.sitofp %convert_element_type3A_191 : vector<256x2048xi32> to vector<256x2048xf32>
    %reduce_sum3A_193 = arith.constant dense<0.000000e+00> : vector<256xf32>
    %reduce_sum3A_194 = vector.multi_reduction <add>, %convert_element_type3A_192, %reduce_sum3A_193 [1] : vector<256x2048xf32> to vector<256xf32>
    %broadcast_in_dim3A_195 = vector.shape_cast %reduce_sum3A_194 : vector<256xf32> to vector<256x1xf32>
    %le3A_196 = arith.constant 1.500000e+01 : f32
    %le3A_197 = vector.broadcast %le3A_196 : f32 to vector<256x2048xf32>
    %le3A_198 = arith.cmpf ole, %add3A_75, %le3A_197 : vector<256x2048xf32>
    %convert_element_type3A_199 = arith.extui %le3A_198 : vector<256x2048xi1> to vector<256x2048xi32>
    %convert_element_type3A_200 = arith.sitofp %convert_element_type3A_199 : vector<256x2048xi32> to vector<256x2048xf32>
    %reduce_sum3A_201 = arith.constant dense<0.000000e+00> : vector<256xf32>
    %reduce_sum3A_202 = vector.multi_reduction <add>, %convert_element_type3A_200, %reduce_sum3A_201 [1] : vector<256x2048xf32> to vector<256xf32>
    %broadcast_in_dim3A_203 = vector.shape_cast %reduce_sum3A_202 : vector<256xf32> to vector<256x1xf32>
    %le3A_204 = arith.constant 1.600000e+01 : f32
    %le3A_205 = vector.broadcast %le3A_204 : f32 to vector<256x2048xf32>
    %le3A_206 = arith.cmpf ole, %add3A_75, %le3A_205 : vector<256x2048xf32>
    %convert_element_type3A_207 = arith.extui %le3A_206 : vector<256x2048xi1> to vector<256x2048xi32>
    %convert_element_type3A_208 = arith.sitofp %convert_element_type3A_207 : vector<256x2048xi32> to vector<256x2048xf32>
    %reduce_sum3A_209 = arith.constant dense<0.000000e+00> : vector<256xf32>
    %reduce_sum3A_210 = vector.multi_reduction <add>, %convert_element_type3A_208, %reduce_sum3A_209 [1] : vector<256x2048xf32> to vector<256xf32>
    %broadcast_in_dim3A_211 = vector.shape_cast %reduce_sum3A_210 : vector<256xf32> to vector<256x1xf32>
    %le3A_212 = arith.constant 1.700000e+01 : f32
    %le3A_213 = vector.broadcast %le3A_212 : f32 to vector<256x2048xf32>
    %le3A_214 = arith.cmpf ole, %add3A_75, %le3A_213 : vector<256x2048xf32>
    %convert_element_type3A_215 = arith.extui %le3A_214 : vector<256x2048xi1> to vector<256x2048xi32>
    %convert_element_type3A_216 = arith.sitofp %convert_element_type3A_215 : vector<256x2048xi32> to vector<256x2048xf32>
    %reduce_sum3A_217 = arith.constant dense<0.000000e+00> : vector<256xf32>
    %reduce_sum3A_218 = vector.multi_reduction <add>, %convert_element_type3A_216, %reduce_sum3A_217 [1] : vector<256x2048xf32> to vector<256xf32>
    %broadcast_in_dim3A_219 = vector.shape_cast %reduce_sum3A_218 : vector<256xf32> to vector<256x1xf32>
    %le3A_220 = arith.constant 1.800000e+01 : f32
    %le3A_221 = vector.broadcast %le3A_220 : f32 to vector<256x2048xf32>
    %le3A_222 = arith.cmpf ole, %add3A_75, %le3A_221 : vector<256x2048xf32>
    %convert_element_type3A_223 = arith.extui %le3A_222 : vector<256x2048xi1> to vector<256x2048xi32>
    %convert_element_type3A_224 = arith.sitofp %convert_element_type3A_223 : vector<256x2048xi32> to vector<256x2048xf32>
    %reduce_sum3A_225 = arith.constant dense<0.000000e+00> : vector<256xf32>
    %reduce_sum3A_226 = vector.multi_reduction <add>, %convert_element_type3A_224, %reduce_sum3A_225 [1] : vector<256x2048xf32> to vector<256xf32>
    %broadcast_in_dim3A_227 = vector.shape_cast %reduce_sum3A_226 : vector<256xf32> to vector<256x1xf32>
    %le3A_228 = arith.constant 1.900000e+01 : f32
    %le3A_229 = vector.broadcast %le3A_228 : f32 to vector<256x2048xf32>
    %le3A_230 = arith.cmpf ole, %add3A_75, %le3A_229 : vector<256x2048xf32>
    %convert_element_type3A_231 = arith.extui %le3A_230 : vector<256x2048xi1> to vector<256x2048xi32>
    %convert_element_type3A_232 = arith.sitofp %convert_element_type3A_231 : vector<256x2048xi32> to vector<256x2048xf32>
    %reduce_sum3A_233 = arith.constant dense<0.000000e+00> : vector<256xf32>
    %reduce_sum3A_234 = vector.multi_reduction <add>, %convert_element_type3A_232, %reduce_sum3A_233 [1] : vector<256x2048xf32> to vector<256xf32>
    %broadcast_in_dim3A_235 = vector.shape_cast %reduce_sum3A_234 : vector<256xf32> to vector<256x1xf32>
    %le3A_236 = arith.constant 2.000000e+01 : f32
    %le3A_237 = vector.broadcast %le3A_236 : f32 to vector<256x2048xf32>
    %le3A_238 = arith.cmpf ole, %add3A_75, %le3A_237 : vector<256x2048xf32>
    %convert_element_type3A_239 = arith.extui %le3A_238 : vector<256x2048xi1> to vector<256x2048xi32>
    %convert_element_type3A_240 = arith.sitofp %convert_element_type3A_239 : vector<256x2048xi32> to vector<256x2048xf32>
    %reduce_sum3A_241 = arith.constant dense<0.000000e+00> : vector<256xf32>
    %reduce_sum3A_242 = vector.multi_reduction <add>, %convert_element_type3A_240, %reduce_sum3A_241 [1] : vector<256x2048xf32> to vector<256xf32>
    %broadcast_in_dim3A_243 = vector.shape_cast %reduce_sum3A_242 : vector<256xf32> to vector<256x1xf32>
    %le3A_244 = arith.constant 2.100000e+01 : f32
    %le3A_245 = vector.broadcast %le3A_244 : f32 to vector<256x2048xf32>
    %le3A_246 = arith.cmpf ole, %add3A_75, %le3A_245 : vector<256x2048xf32>
    %convert_element_type3A_247 = arith.extui %le3A_246 : vector<256x2048xi1> to vector<256x2048xi32>
    %convert_element_type3A_248 = arith.sitofp %convert_element_type3A_247 : vector<256x2048xi32> to vector<256x2048xf32>
    %reduce_sum3A_249 = arith.constant dense<0.000000e+00> : vector<256xf32>
    %reduce_sum3A_250 = vector.multi_reduction <add>, %convert_element_type3A_248, %reduce_sum3A_249 [1] : vector<256x2048xf32> to vector<256xf32>
    %broadcast_in_dim3A_251 = vector.shape_cast %reduce_sum3A_250 : vector<256xf32> to vector<256x1xf32>
    %le3A_252 = arith.constant 2.200000e+01 : f32
    %le3A_253 = vector.broadcast %le3A_252 : f32 to vector<256x2048xf32>
    %le3A_254 = arith.cmpf ole, %add3A_75, %le3A_253 : vector<256x2048xf32>
    %convert_element_type3A_255 = arith.extui %le3A_254 : vector<256x2048xi1> to vector<256x2048xi32>
    %convert_element_type3A_256 = arith.sitofp %convert_element_type3A_255 : vector<256x2048xi32> to vector<256x2048xf32>
    %reduce_sum3A_257 = arith.constant dense<0.000000e+00> : vector<256xf32>
    %reduce_sum3A_258 = vector.multi_reduction <add>, %convert_element_type3A_256, %reduce_sum3A_257 [1] : vector<256x2048xf32> to vector<256xf32>
    %broadcast_in_dim3A_259 = vector.shape_cast %reduce_sum3A_258 : vector<256xf32> to vector<256x1xf32>
    %le3A_260 = arith.constant 2.300000e+01 : f32
    %le3A_261 = vector.broadcast %le3A_260 : f32 to vector<256x2048xf32>
    %le3A_262 = arith.cmpf ole, %add3A_75, %le3A_261 : vector<256x2048xf32>
    %convert_element_type3A_263 = arith.extui %le3A_262 : vector<256x2048xi1> to vector<256x2048xi32>
    %convert_element_type3A_264 = arith.sitofp %convert_element_type3A_263 : vector<256x2048xi32> to vector<256x2048xf32>
    %reduce_sum3A_265 = arith.constant dense<0.000000e+00> : vector<256xf32>
    %reduce_sum3A_266 = vector.multi_reduction <add>, %convert_element_type3A_264, %reduce_sum3A_265 [1] : vector<256x2048xf32> to vector<256xf32>
    %broadcast_in_dim3A_267 = vector.shape_cast %reduce_sum3A_266 : vector<256xf32> to vector<256x1xf32>
    %le3A_268 = arith.constant 2.400000e+01 : f32
    %le3A_269 = vector.broadcast %le3A_268 : f32 to vector<256x2048xf32>
    %le3A_270 = arith.cmpf ole, %add3A_75, %le3A_269 : vector<256x2048xf32>
    %convert_element_type3A_271 = arith.extui %le3A_270 : vector<256x2048xi1> to vector<256x2048xi32>
    %convert_element_type3A_272 = arith.sitofp %convert_element_type3A_271 : vector<256x2048xi32> to vector<256x2048xf32>
    %reduce_sum3A_273 = arith.constant dense<0.000000e+00> : vector<256xf32>
    %reduce_sum3A_274 = vector.multi_reduction <add>, %convert_element_type3A_272, %reduce_sum3A_273 [1] : vector<256x2048xf32> to vector<256xf32>
    %broadcast_in_dim3A_275 = vector.shape_cast %reduce_sum3A_274 : vector<256xf32> to vector<256x1xf32>
    %le3A_276 = arith.constant 2.500000e+01 : f32
    %le3A_277 = vector.broadcast %le3A_276 : f32 to vector<256x2048xf32>
    %le3A_278 = arith.cmpf ole, %add3A_75, %le3A_277 : vector<256x2048xf32>
    %convert_element_type3A_279 = arith.extui %le3A_278 : vector<256x2048xi1> to vector<256x2048xi32>
    %convert_element_type3A_280 = arith.sitofp %convert_element_type3A_279 : vector<256x2048xi32> to vector<256x2048xf32>
    %reduce_sum3A_281 = arith.constant dense<0.000000e+00> : vector<256xf32>
    %reduce_sum3A_282 = vector.multi_reduction <add>, %convert_element_type3A_280, %reduce_sum3A_281 [1] : vector<256x2048xf32> to vector<256xf32>
    %broadcast_in_dim3A_283 = vector.shape_cast %reduce_sum3A_282 : vector<256xf32> to vector<256x1xf32>
    %le3A_284 = arith.constant 2.600000e+01 : f32
    %le3A_285 = vector.broadcast %le3A_284 : f32 to vector<256x2048xf32>
    %le3A_286 = arith.cmpf ole, %add3A_75, %le3A_285 : vector<256x2048xf32>
    %convert_element_type3A_287 = arith.extui %le3A_286 : vector<256x2048xi1> to vector<256x2048xi32>
    %convert_element_type3A_288 = arith.sitofp %convert_element_type3A_287 : vector<256x2048xi32> to vector<256x2048xf32>
    %reduce_sum3A_289 = arith.constant dense<0.000000e+00> : vector<256xf32>
    %reduce_sum3A_290 = vector.multi_reduction <add>, %convert_element_type3A_288, %reduce_sum3A_289 [1] : vector<256x2048xf32> to vector<256xf32>
    %broadcast_in_dim3A_291 = vector.shape_cast %reduce_sum3A_290 : vector<256xf32> to vector<256x1xf32>
    %le3A_292 = arith.constant 2.700000e+01 : f32
    %le3A_293 = vector.broadcast %le3A_292 : f32 to vector<256x2048xf32>
    %le3A_294 = arith.cmpf ole, %add3A_75, %le3A_293 : vector<256x2048xf32>
    %convert_element_type3A_295 = arith.extui %le3A_294 : vector<256x2048xi1> to vector<256x2048xi32>
    %convert_element_type3A_296 = arith.sitofp %convert_element_type3A_295 : vector<256x2048xi32> to vector<256x2048xf32>
    %reduce_sum3A_297 = arith.constant dense<0.000000e+00> : vector<256xf32>
    %reduce_sum3A_298 = vector.multi_reduction <add>, %convert_element_type3A_296, %reduce_sum3A_297 [1] : vector<256x2048xf32> to vector<256xf32>
    %broadcast_in_dim3A_299 = vector.shape_cast %reduce_sum3A_298 : vector<256xf32> to vector<256x1xf32>
    %le3A_300 = arith.constant 2.800000e+01 : f32
    %le3A_301 = vector.broadcast %le3A_300 : f32 to vector<256x2048xf32>
    %le3A_302 = arith.cmpf ole, %add3A_75, %le3A_301 : vector<256x2048xf32>
    %convert_element_type3A_303 = arith.extui %le3A_302 : vector<256x2048xi1> to vector<256x2048xi32>
    %convert_element_type3A_304 = arith.sitofp %convert_element_type3A_303 : vector<256x2048xi32> to vector<256x2048xf32>
    %reduce_sum3A_305 = arith.constant dense<0.000000e+00> : vector<256xf32>
    %reduce_sum3A_306 = vector.multi_reduction <add>, %convert_element_type3A_304, %reduce_sum3A_305 [1] : vector<256x2048xf32> to vector<256xf32>
    %broadcast_in_dim3A_307 = vector.shape_cast %reduce_sum3A_306 : vector<256xf32> to vector<256x1xf32>
    %le3A_308 = arith.constant 2.900000e+01 : f32
    %le3A_309 = vector.broadcast %le3A_308 : f32 to vector<256x2048xf32>
    %le3A_310 = arith.cmpf ole, %add3A_75, %le3A_309 : vector<256x2048xf32>
    %convert_element_type3A_311 = arith.extui %le3A_310 : vector<256x2048xi1> to vector<256x2048xi32>
    %convert_element_type3A_312 = arith.sitofp %convert_element_type3A_311 : vector<256x2048xi32> to vector<256x2048xf32>
    %reduce_sum3A_313 = arith.constant dense<0.000000e+00> : vector<256xf32>
    %reduce_sum3A_314 = vector.multi_reduction <add>, %convert_element_type3A_312, %reduce_sum3A_313 [1] : vector<256x2048xf32> to vector<256xf32>
    %broadcast_in_dim3A_315 = vector.shape_cast %reduce_sum3A_314 : vector<256xf32> to vector<256x1xf32>
    %le3A_316 = arith.constant 3.000000e+01 : f32
    %le3A_317 = vector.broadcast %le3A_316 : f32 to vector<256x2048xf32>
    %le3A_318 = arith.cmpf ole, %add3A_75, %le3A_317 : vector<256x2048xf32>
    %convert_element_type3A_319 = arith.extui %le3A_318 : vector<256x2048xi1> to vector<256x2048xi32>
    %convert_element_type3A_320 = arith.sitofp %convert_element_type3A_319 : vector<256x2048xi32> to vector<256x2048xf32>
    %reduce_sum3A_321 = arith.constant dense<0.000000e+00> : vector<256xf32>
    %reduce_sum3A_322 = vector.multi_reduction <add>, %convert_element_type3A_320, %reduce_sum3A_321 [1] : vector<256x2048xf32> to vector<256xf32>
    %broadcast_in_dim3A_323 = vector.shape_cast %reduce_sum3A_322 : vector<256xf32> to vector<256x1xf32>
    %le3A_324 = arith.constant 3.100000e+01 : f32
    %le3A_325 = vector.broadcast %le3A_324 : f32 to vector<256x2048xf32>
    %le3A_326 = arith.cmpf ole, %add3A_75, %le3A_325 : vector<256x2048xf32>
    %convert_element_type3A_327 = arith.extui %le3A_326 : vector<256x2048xi1> to vector<256x2048xi32>
    %convert_element_type3A_328 = arith.sitofp %convert_element_type3A_327 : vector<256x2048xi32> to vector<256x2048xf32>
    %reduce_sum3A_329 = arith.constant dense<0.000000e+00> : vector<256xf32>
    %reduce_sum3A_330 = vector.multi_reduction <add>, %convert_element_type3A_328, %reduce_sum3A_329 [1] : vector<256x2048xf32> to vector<256xf32>
    %broadcast_in_dim3A_331 = vector.shape_cast %reduce_sum3A_330 : vector<256xf32> to vector<256x1xf32>
    %concatenate3A_332 = tpu.concatenate %broadcast_in_dim3A_83, %broadcast_in_dim3A_91, %broadcast_in_dim3A_99, %broadcast_in_dim3A_107, %broadcast_in_dim3A_115, %broadcast_in_dim3A_123, %broadcast_in_dim3A_131, %broadcast_in_dim3A_139, %broadcast_in_dim3A_147, %broadcast_in_dim3A_155, %broadcast_in_dim3A_163, %broadcast_in_dim3A_171, %broadcast_in_dim3A_179, %broadcast_in_dim3A_187, %broadcast_in_dim3A_195, %broadcast_in_dim3A_203, %broadcast_in_dim3A_211, %broadcast_in_dim3A_219, %broadcast_in_dim3A_227, %broadcast_in_dim3A_235, %broadcast_in_dim3A_243, %broadcast_in_dim3A_251, %broadcast_in_dim3A_259, %broadcast_in_dim3A_267, %broadcast_in_dim3A_275, %broadcast_in_dim3A_283, %broadcast_in_dim3A_291, %broadcast_in_dim3A_299, %broadcast_in_dim3A_307, %broadcast_in_dim3A_315, %broadcast_in_dim3A_323, %broadcast_in_dim3A_331 in 1 : vector<256x1xf32>, vector<256x1xf32>, vector<256x1xf32>, vector<256x1xf32>, vector<256x1xf32>, vector<256x1xf32>, vector<256x1xf32>, vector<256x1xf32>, vector<256x1xf32>, vector<256x1xf32>, vector<256x1xf32>, vector<256x1xf32>, vector<256x1xf32>, vector<256x1xf32>, vector<256x1xf32>, vector<256x1xf32>, vector<256x1xf32>, vector<256x1xf32>, vector<256x1xf32>, vector<256x1xf32>, vector<256x1xf32>, vector<256x1xf32>, vector<256x1xf32>, vector<256x1xf32>, vector<256x1xf32>, vector<256x1xf32>, vector<256x1xf32>, vector<256x1xf32>, vector<256x1xf32>, vector<256x1xf32>, vector<256x1xf32>, vector<256x1xf32> -> vector<256x32xf32>
    %broadcast_in_dim3A_333 = vector.shape_cast %squeeze3A : vector<256xf32> to vector<256x1xf32>
    %gt3A = arith.constant 0.000000e+00 : f32
    %gt3A_334 = vector.broadcast %gt3A : f32 to vector<256x1xf32>
    %gt3A_335 = arith.cmpf ogt, %broadcast_in_dim3A_333, %gt3A_334 : vector<256x1xf32>
    %slice3A_336 = vector.extract_strided_slice %concatenate3A_332 {offsets = [0, 0], sizes = [256, 1], strides = [1, 1]} : vector<256x32xf32> to vector<256x1xf32>
    %jit3A = arith.constant 0.000000e+00 : f32
    %broadcast_in_dim3A_337 = vector.broadcast %jit3A : f32 to vector<256x1xf32>
    %select_n3A = arith.select %gt3A_335, %slice3A_336, %broadcast_in_dim3A_337 : vector<256x1xi1>, vector<256x1xf32>
    %iota3A = tpu.iota {dimensions = array<i32: 1>} : vector<1x32xi32>
    %convert_element_type3A_338 = arith.sitofp %iota3A : vector<1x32xi32> to vector<1x32xf32>
    %broadcast_in_dim3A_339 = vector.shape_cast %squeeze3A : vector<256xf32> to vector<256x1xf32>
    %lt3A_340 = vector.broadcast %convert_element_type3A_338 : vector<1x32xf32> to vector<256x32xf32>
    %lt3A_341 = vector.broadcast %broadcast_in_dim3A_339 : vector<256x1xf32> to vector<256x32xf32>
    %lt3A_342 = arith.cmpf olt, %lt3A_340, %lt3A_341 : vector<256x32xf32>
    %broadcast_in_dim3A_343 = vector.shape_cast %select_n3A : vector<256x1xf32> to vector<256x1xf32>
    %broadcast_in_dim3A_344 = vector.broadcast %broadcast_in_dim3A_343 : vector<256x1xf32> to vector<256x32xf32>
    %select_n3A_345 = arith.select %lt3A_342, %concatenate3A_332, %broadcast_in_dim3A_344 : vector<256x32xi1>, vector<256x32xf32>
    %convert_element_type3A_346 = arith.fptosi %select_n3A_345 : vector<256x32xf32> to vector<256x32xi32>
    %mul3A_347 = arith.constant 2048 : i32
    %mul3A_348 = arith.muli %arg0, %mul3A_347 : i32
    %add3A_349 = vector.broadcast %mul3A_348 : i32 to vector<256x32xi32>
    %add3A_350 = arith.addi %convert_element_type3A_346, %add3A_349 : vector<256x32xi32>
    %swap3A = arith.constant 0 : index
    %swap3A_351 = arith.constant 0 : index
    %swap3A_352 = arith.constant 0 : index
    %swap3A_353 = vector.load %arg4[%swap3A, %swap3A_351, %swap3A_352] : memref<1x256x32xi32, #tpu.memory_space<vmem>>, vector<1x256x32xi32>
    %swap3A_354 = vector.shape_cast %swap3A_353 : vector<1x256x32xi32> to vector<256x32xi32>
    %swap3A_355 = vector.shape_cast %add3A_350 : vector<256x32xi32> to vector<1x256x32xi32>
    tpu.vector_store %arg4[%swap3A, %swap3A_351, %swap3A_352], %swap3A_355 {strides = array<i32>} : memref<1x256x32xi32, #tpu.memory_space<vmem>>, vector<1x256x32xi32>,
    return
  }
  func.func @transform_0(%arg0: i32, %arg1: i32) -> (i32, i32, i32) {
    %c0_i32 = arith.constant 0 : i32
    %c0_i32_0 = arith.constant 0 : i32
    return %arg0, %arg1, %c0_i32 : i32, i32, i32
  }
  func.func @transform_1(%arg0: i32, %arg1: i32) -> (i32, i32, i32) {
    %c0_i32 = arith.constant 0 : i32
    %c0_i32_0 = arith.constant 0 : i32
    %c0_i32_1 = arith.constant 0 : i32
    return %arg0, %c0_i32, %c0_i32_0 : i32, i32, i32
  }
  func.func @transform_2(%arg0: i32, %arg1: i32) -> (i32, i32, i32) {
    %c0_i32 = arith.constant 0 : i32
    %c0_i32_0 = arith.constant 0 : i32
    return %arg0, %arg1, %c0_i32 : i32, i32, i32
  }
}

module attributes {stable_mosaic.version = 14 : i64} {
  func.func @_prep_body(%arg0: i32, %arg1: memref<1x2048x67xf32, #tpu.memory_space<vmem>>, %arg2: memref<64x67xf32, #tpu.memory_space<vmem>>, %arg3: memref<64x67xf32, #tpu.memory_space<vmem>>, %arg4: memref<1x64xf32, #tpu.memory_space<vmem>>, %arg5: memref<1x2048x128xf32, #tpu.memory_space<vmem>>, %arg6: memref<1x2048x64xf32, #tpu.memory_space<vmem>>) attributes {dimension_semantics = [#tpu.dimension_semantics<arbitrary>], iteration_bounds = array<i64: 8>, scalar_prefetch = 0 : i64, scratch_operands = 0 : i64, tpu.core_type = #tpu.core_type<tc>, window_params = [{transform_indices = @transform_0, window_bounds = array<i64: 1, 2048, 67>}, {pipeline_mode = #tpu.pipeline_mode<synchronous>, transform_indices = @transform_1, window_bounds = array<i64: 64, 67>}, {pipeline_mode = #tpu.pipeline_mode<synchronous>, transform_indices = @transform_2, window_bounds = array<i64: 64, 67>}, {pipeline_mode = #tpu.pipeline_mode<synchronous>, transform_indices = @transform_3, window_bounds = array<i64: 1, 64>}, {transform_indices = @transform_4, window_bounds = array<i64: 1, 2048, 128>}, {transform_indices = @transform_5, window_bounds = array<i64: 1, 2048, 64>}]} {
    %get3A = arith.constant 0 : index
    %get3A_0 = arith.constant 0 : index
    %get3A_1 = arith.constant 0 : index
    %get3A_2 = vector.load %arg1[%get3A, %get3A_0, %get3A_1] : memref<1x2048x67xf32, #tpu.memory_space<vmem>>, vector<1x2048x67xf32>
    %get3A_3 = vector.shape_cast %get3A_2 : vector<1x2048x67xf32> to vector<2048x67xf32>
    %get3A_4 = arith.constant 0 : index
    %get3A_5 = arith.constant 0 : index
    %get3A_6 = vector.load %arg2[%get3A_4, %get3A_5] : memref<64x67xf32, #tpu.memory_space<vmem>>, vector<64x67xf32>
    %get3A_7 = arith.constant 0 : index
    %get3A_8 = arith.constant 0 : index
    %get3A_9 = vector.load %arg3[%get3A_7, %get3A_8] : memref<64x67xf32, #tpu.memory_space<vmem>>, vector<64x67xf32>
    %get3A_10 = arith.constant 0 : index
    %get3A_11 = arith.constant 0 : index
    %get3A_12 = vector.load %arg4[%get3A_10, %get3A_11] : memref<1x64xf32, #tpu.memory_space<vmem>>, vector<1x64xf32>
    %get3A_13 = vector.shape_cast %get3A_12 : vector<1x64xf32> to vector<64xf32>
    "tpu.trace_start"() <{level = 10 : i32, message = "nc,oc->no"}> : () -> ()
    %dot_general3A = arith.constant dense<0.000000e+00> : vector<2048x64xf32>
    %dot_general3A_14 = tpu.matmul %get3A_3, %get3A_6, %dot_general3A {dimension_numbers = #tpu.dot_dimension_numbers<[1], [1], [0], [0], [0, 0, 1, 0], [], []>, precision = #tpu.contract_precision<fp32>, transpose_lhs_hint = false} : vector<2048x67xf32>, vector<64x67xf32>, vector<2048x64xf32> -> vector<2048x64xf32>
    "tpu.trace_stop"() : () -> ()
    %broadcast_in_dim3A = vector.shape_cast %get3A_13 : vector<64xf32> to vector<1x64xf32>
    %add3A = vector.broadcast %broadcast_in_dim3A : vector<1x64xf32> to vector<2048x64xf32>
    %add3A_15 = arith.addf %dot_general3A_14, %add3A : vector<2048x64xf32>
    "tpu.trace_start"() <{level = 10 : i32, message = "nc,oc->no"}> : () -> ()
    %dot_general3A_16 = arith.constant dense<0.000000e+00> : vector<2048x64xf32>
    %dot_general3A_17 = tpu.matmul %get3A_3, %get3A_9, %dot_general3A_16 {dimension_numbers = #tpu.dot_dimension_numbers<[1], [1], [0], [0], [0, 0, 1, 0], [], []>, precision = #tpu.contract_precision<fp32>, transpose_lhs_hint = false} : vector<2048x67xf32>, vector<64x67xf32>, vector<2048x64xf32> -> vector<2048x64xf32>
    "tpu.trace_stop"() : () -> ()
    %neg3A = arith.constant 0.000000e+00 : f32
    %neg3A_18 = vector.broadcast %neg3A : f32 to vector<2048x64xf32>
    %neg3A_19 = arith.subf %neg3A_18, %dot_general3A_17 : vector<2048x64xf32>
    %broadcast_in_dim3A_20 = arith.constant 0.000000e+00 : f32
    %broadcast_in_dim3A_21 = vector.broadcast %broadcast_in_dim3A_20 : f32 to vector<2048x64xf32>
    %concatenate3A = tpu.concatenate %add3A_15, %broadcast_in_dim3A_21 in 1 : vector<2048x64xf32>, vector<2048x64xf32> -> vector<2048x128xf32>
    %swap3A = arith.constant 0 : index
    %swap3A_22 = arith.constant 0 : index
    %swap3A_23 = arith.constant 0 : index
    %swap3A_24 = vector.load %arg5[%swap3A, %swap3A_22, %swap3A_23] : memref<1x2048x128xf32, #tpu.memory_space<vmem>>, vector<1x2048x128xf32>
    %swap3A_25 = vector.shape_cast %swap3A_24 : vector<1x2048x128xf32> to vector<2048x128xf32>
    %swap3A_26 = vector.shape_cast %concatenate3A : vector<2048x128xf32> to vector<1x2048x128xf32>
    tpu.vector_store %arg5[%swap3A, %swap3A_22, %swap3A_23], %swap3A_26 {strides = array<i32>} : memref<1x2048x128xf32, #tpu.memory_space<vmem>>, vector<1x2048x128xf32>,
    %swap3A_27 = arith.constant 0 : index
    %swap3A_28 = arith.constant 0 : index
    %swap3A_29 = arith.constant 0 : index
    %swap3A_30 = vector.load %arg6[%swap3A_27, %swap3A_28, %swap3A_29] : memref<1x2048x64xf32, #tpu.memory_space<vmem>>, vector<1x2048x64xf32>
    %swap3A_31 = vector.shape_cast %swap3A_30 : vector<1x2048x64xf32> to vector<2048x64xf32>
    %swap3A_32 = vector.shape_cast %neg3A_19 : vector<2048x64xf32> to vector<1x2048x64xf32>
    tpu.vector_store %arg6[%swap3A_27, %swap3A_28, %swap3A_29], %swap3A_32 {strides = array<i32>} : memref<1x2048x64xf32, #tpu.memory_space<vmem>>, vector<1x2048x64xf32>,
    return
  }
  func.func @transform_0(%arg0: i32) -> (i32, i32, i32) {
    %c0_i32 = arith.constant 0 : i32
    %c0_i32_0 = arith.constant 0 : i32
    %c0_i32_1 = arith.constant 0 : i32
    return %arg0, %c0_i32, %c0_i32_0 : i32, i32, i32
  }
  func.func @transform_1(%arg0: i32) -> (i32, i32) {
    %c0_i32 = arith.constant 0 : i32
    %c0_i32_0 = arith.constant 0 : i32
    %c0_i32_1 = arith.constant 0 : i32
    return %c0_i32, %c0_i32_0 : i32, i32
  }
  func.func @transform_2(%arg0: i32) -> (i32, i32) {
    %c0_i32 = arith.constant 0 : i32
    %c0_i32_0 = arith.constant 0 : i32
    %c0_i32_1 = arith.constant 0 : i32
    return %c0_i32, %c0_i32_0 : i32, i32
  }
  func.func @transform_3(%arg0: i32) -> (i32, i32) {
    %c0_i32 = arith.constant 0 : i32
    %c0_i32_0 = arith.constant 0 : i32
    %c0_i32_1 = arith.constant 0 : i32
    return %c0_i32, %c0_i32_0 : i32, i32
  }
  func.func @transform_4(%arg0: i32) -> (i32, i32, i32) {
    %c0_i32 = arith.constant 0 : i32
    %c0_i32_0 = arith.constant 0 : i32
    %c0_i32_1 = arith.constant 0 : i32
    return %arg0, %c0_i32, %c0_i32_0 : i32, i32, i32
  }
  func.func @transform_5(%arg0: i32) -> (i32, i32, i32) {
    %c0_i32 = arith.constant 0 : i32
    %c0_i32_0 = arith.constant 0 : i32
    %c0_i32_1 = arith.constant 0 : i32
    return %arg0, %c0_i32, %c0_i32_0 : i32, i32, i32
  }
}

module attributes {stable_mosaic.version = 14 : i64} {
  func.func @_stats1_body(%arg0: i32, %arg1: memref<512x32x128xf32, #tpu.memory_space<vmem>>, %arg2: memref<512x64xf32, #tpu.memory_space<vmem>>, %arg3: memref<2x64xf32, #tpu.memory_space<vmem>>) attributes {dimension_semantics = [#tpu.dimension_semantics<arbitrary>], iteration_bounds = array<i64: 32>, scalar_prefetch = 0 : i64, scratch_operands = 0 : i64, tpu.core_type = #tpu.core_type<tc>, window_params = [{transform_indices = @transform_0, window_bounds = array<i64: 512, 32, 128>}, {transform_indices = @transform_1, window_bounds = array<i64: 512, 64>}, {pipeline_mode = #tpu.pipeline_mode<synchronous>, transform_indices = @transform_2, window_bounds = array<i64: 2, 64>}]} {
    %eq3A = arith.constant 0 : i32
    %eq3A_0 = arith.cmpi eq, %arg0, %eq3A : i32
    %convert_element_type3A = arith.extui %eq3A_0 : i1 to i32
    %cond3A = arith.constant 0 : i32
    %cond3A_1 = arith.cmpi ne, %convert_element_type3A, %cond3A : i32
    scf.if %cond3A_1 {
      %broadcast_in_dim3A_31 = arith.constant 0.000000e+00 : f32
      %broadcast_in_dim3A_32 = vector.broadcast %broadcast_in_dim3A_31 : f32 to vector<2x64xf32>
      %swap3A_33 = arith.constant 0 : index
      %swap3A_34 = arith.constant 0 : index
      %swap3A_35 = vector.load %arg3[%swap3A_33, %swap3A_34] : memref<2x64xf32, #tpu.memory_space<vmem>>, vector<2x64xf32>
      tpu.vector_store %arg3[%swap3A_33, %swap3A_34], %broadcast_in_dim3A_32 {strides = array<i32>} : memref<2x64xf32, #tpu.memory_space<vmem>>, vector<2x64xf32>,
    } else {
    }
    %get3A = arith.constant 0 : index
    %get3A_2 = arith.constant 0 : index
    %get3A_3 = arith.constant 0 : index
    %get3A_4 = vector.load %arg1[%get3A, %get3A_2, %get3A_3] : memref<512x32x128xf32, #tpu.memory_space<vmem>>, vector<512x32x128xf32>
    %slice3A = vector.extract_strided_slice %get3A_4 {offsets = [0, 0, 0], sizes = [512, 32, 64], strides = [1, 1, 1]} : vector<512x32x128xf32> to vector<512x32x64xf32>
    %get3A_5 = arith.constant 0 : index
    %get3A_6 = arith.constant 0 : index
    %get3A_7 = vector.load %arg2[%get3A_5, %get3A_6] : memref<512x64xf32, #tpu.memory_space<vmem>>, vector<512x64xf32>
    %broadcast_in_dim3A = vector.shape_cast %get3A_7 : vector<512x64xf32> to vector<512x1x64xf32>
    %add3A = vector.broadcast %broadcast_in_dim3A : vector<512x1x64xf32> to vector<512x32x64xf32>
    %add3A_8 = arith.addf %slice3A, %add3A : vector<512x32x64xf32>
    %get3A_9 = arith.constant 0 : index
    %get3A_10 = arith.constant 0 : index
    %get3A_11 = vector.load %arg3[%get3A_9, %get3A_10] : memref<2x64xf32, #tpu.memory_space<vmem>>, vector<1x64xf32>
    %get3A_12 = vector.shape_cast %get3A_11 : vector<1x64xf32> to vector<64xf32>
    %reduce_sum3A = arith.constant dense<0.000000e+00> : vector<64xf32>
    %reduce_sum3A_13 = vector.multi_reduction <add>, %add3A_8, %reduce_sum3A [0, 1] : vector<512x32x64xf32> to vector<64xf32>
    %add3A_14 = arith.addf %get3A_12, %reduce_sum3A_13 : vector<64xf32>
    %swap3A = arith.constant 0 : index
    %swap3A_15 = arith.constant 0 : index
    %swap3A_16 = vector.load %arg3[%swap3A, %swap3A_15] : memref<2x64xf32, #tpu.memory_space<vmem>>, vector<1x64xf32>
    %swap3A_17 = vector.shape_cast %swap3A_16 : vector<1x64xf32> to vector<64xf32>
    %swap3A_18 = vector.shape_cast %add3A_14 : vector<64xf32> to vector<1x64xf32>
    tpu.vector_store %arg3[%swap3A, %swap3A_15], %swap3A_18 {strides = array<i32>} : memref<2x64xf32, #tpu.memory_space<vmem>>, vector<1x64xf32>,
    %get3A_19 = arith.constant 1 : index
    %get3A_20 = arith.constant 0 : index
    %get3A_21 = vector.load %arg3[%get3A_19, %get3A_20] : memref<2x64xf32, #tpu.memory_space<vmem>>, vector<1x64xf32>
    %get3A_22 = vector.shape_cast %get3A_21 : vector<1x64xf32> to vector<64xf32>
    %mul3A = arith.mulf %add3A_8, %add3A_8 : vector<512x32x64xf32>
    %reduce_sum3A_23 = arith.constant dense<0.000000e+00> : vector<64xf32>
    %reduce_sum3A_24 = vector.multi_reduction <add>, %mul3A, %reduce_sum3A_23 [0, 1] : vector<512x32x64xf32> to vector<64xf32>
    %add3A_25 = arith.addf %get3A_22, %reduce_sum3A_24 : vector<64xf32>
    %swap3A_26 = arith.constant 1 : index
    %swap3A_27 = arith.constant 0 : index
    %swap3A_28 = vector.load %arg3[%swap3A_26, %swap3A_27] : memref<2x64xf32, #tpu.memory_space<vmem>>, vector<1x64xf32>
    %swap3A_29 = vector.shape_cast %swap3A_28 : vector<1x64xf32> to vector<64xf32>
    %swap3A_30 = vector.shape_cast %add3A_25 : vector<64xf32> to vector<1x64xf32>
    tpu.vector_store %arg3[%swap3A_26, %swap3A_27], %swap3A_30 {strides = array<i32>} : memref<2x64xf32, #tpu.memory_space<vmem>>, vector<1x64xf32>,
    return
  }
  func.func @transform_0(%arg0: i32) -> (i32, i32, i32) {
    %c0_i32 = arith.constant 0 : i32
    %c0_i32_0 = arith.constant 0 : i32
    %c0_i32_1 = arith.constant 0 : i32
    return %arg0, %c0_i32, %c0_i32_0 : i32, i32, i32
  }
  func.func @transform_1(%arg0: i32) -> (i32, i32) {
    %c0_i32 = arith.constant 0 : i32
    %c0_i32_0 = arith.constant 0 : i32
    return %arg0, %c0_i32 : i32, i32
  }
  func.func @transform_2(%arg0: i32) -> (i32, i32) {
    %c0_i32 = arith.constant 0 : i32
    %c0_i32_0 = arith.constant 0 : i32
    %c0_i32_1 = arith.constant 0 : i32
    return %c0_i32, %c0_i32_0 : i32, i32
  }
}

module attributes {stable_mosaic.version = 14 : i64} {
  func.func @_fused_body(%arg0: i32, %arg1: memref<256x32x128xf32, #tpu.memory_space<vmem>>, %arg2: memref<256x64xf32, #tpu.memory_space<vmem>>, %arg3: memref<1x64xf32, #tpu.memory_space<vmem>>, %arg4: memref<1x64xf32, #tpu.memory_space<vmem>>, %arg5: memref<128x64xf32, #tpu.memory_space<vmem>>, %arg6: memref<256x128xf32, #tpu.memory_space<vmem>>, %arg7: memref<256x128xf32, #tpu.memory_space<vmem>>, %arg8: memref<2x128xf32, #tpu.memory_space<vmem>>) attributes {dimension_semantics = [#tpu.dimension_semantics<arbitrary>], iteration_bounds = array<i64: 64>, scalar_prefetch = 0 : i64, scratch_operands = 0 : i64, tpu.core_type = #tpu.core_type<tc>, window_params = [{transform_indices = @transform_0, window_bounds = array<i64: 256, 32, 128>}, {transform_indices = @transform_1, window_bounds = array<i64: 256, 64>}, {pipeline_mode = #tpu.pipeline_mode<synchronous>, transform_indices = @transform_2, window_bounds = array<i64: 1, 64>}, {pipeline_mode = #tpu.pipeline_mode<synchronous>, transform_indices = @transform_3, window_bounds = array<i64: 1, 64>}, {pipeline_mode = #tpu.pipeline_mode<synchronous>, transform_indices = @transform_4, window_bounds = array<i64: 128, 64>}, {transform_indices = @transform_5, window_bounds = array<i64: 256, 128>}, {transform_indices = @transform_6, window_bounds = array<i64: 256, 128>}, {pipeline_mode = #tpu.pipeline_mode<synchronous>, transform_indices = @transform_7, window_bounds = array<i64: 2, 128>}]} {
    %eq3A = arith.constant 0 : i32
    %eq3A_0 = arith.cmpi eq, %arg0, %eq3A : i32
    %convert_element_type3A = arith.extui %eq3A_0 : i1 to i32
    %cond3A = arith.constant 0 : i32
    %cond3A_1 = arith.cmpi ne, %convert_element_type3A, %cond3A : i32
    scf.if %cond3A_1 {
      %broadcast_in_dim3A_63 = arith.constant 0.000000e+00 : f32
      %broadcast_in_dim3A_64 = vector.broadcast %broadcast_in_dim3A_63 : f32 to vector<2x128xf32>
      %swap3A_65 = arith.constant 0 : index
      %swap3A_66 = arith.constant 0 : index
      %swap3A_67 = vector.load %arg8[%swap3A_65, %swap3A_66] : memref<2x128xf32, #tpu.memory_space<vmem>>, vector<2x128xf32>
      tpu.vector_store %arg8[%swap3A_65, %swap3A_66], %broadcast_in_dim3A_64 {strides = array<i32>} : memref<2x128xf32, #tpu.memory_space<vmem>>, vector<2x128xf32>,
    } else {
    }
    %get3A = arith.constant 0 : index
    %get3A_2 = arith.constant 0 : index
    %get3A_3 = arith.constant 0 : index
    %get3A_4 = vector.load %arg1[%get3A, %get3A_2, %get3A_3] : memref<256x32x128xf32, #tpu.memory_space<vmem>>, vector<256x32x128xf32>
    %slice3A = vector.extract_strided_slice %get3A_4 {offsets = [0, 0, 0], sizes = [256, 32, 64], strides = [1, 1, 1]} : vector<256x32x128xf32> to vector<256x32x64xf32>
    %get3A_5 = arith.constant 0 : index
    %get3A_6 = arith.constant 0 : index
    %get3A_7 = vector.load %arg2[%get3A_5, %get3A_6] : memref<256x64xf32, #tpu.memory_space<vmem>>, vector<256x64xf32>
    %broadcast_in_dim3A = vector.shape_cast %get3A_7 : vector<256x64xf32> to vector<256x1x64xf32>
    %add3A = vector.broadcast %broadcast_in_dim3A : vector<256x1x64xf32> to vector<256x32x64xf32>
    %add3A_8 = arith.addf %slice3A, %add3A : vector<256x32x64xf32>
    %get3A_9 = arith.constant 0 : index
    %get3A_10 = arith.constant 0 : index
    %get3A_11 = vector.load %arg3[%get3A_9, %get3A_10] : memref<1x64xf32, #tpu.memory_space<vmem>>, vector<1x64xf32>
    %get3A_12 = vector.shape_cast %get3A_11 : vector<1x64xf32> to vector<64xf32>
    %get3A_13 = arith.constant 0 : index
    %get3A_14 = arith.constant 0 : index
    %get3A_15 = vector.load %arg4[%get3A_13, %get3A_14] : memref<1x64xf32, #tpu.memory_space<vmem>>, vector<1x64xf32>
    %get3A_16 = vector.shape_cast %get3A_15 : vector<1x64xf32> to vector<64xf32>
    %broadcast_in_dim3A_17 = vector.shape_cast %get3A_12 : vector<64xf32> to vector<1x1x64xf32>
    %mul3A = vector.broadcast %broadcast_in_dim3A_17 : vector<1x1x64xf32> to vector<256x32x64xf32>
    %mul3A_18 = arith.mulf %add3A_8, %mul3A : vector<256x32x64xf32>
    %broadcast_in_dim3A_19 = vector.shape_cast %get3A_16 : vector<64xf32> to vector<1x1x64xf32>
    %add3A_20 = vector.broadcast %broadcast_in_dim3A_19 : vector<1x1x64xf32> to vector<256x32x64xf32>
    %add3A_21 = arith.addf %mul3A_18, %add3A_20 : vector<256x32x64xf32>
    %ge3A = arith.constant 0.000000e+00 : f32
    %ge3A_22 = vector.broadcast %ge3A : f32 to vector<256x32x64xf32>
    %ge3A_23 = arith.cmpf oge, %add3A_21, %ge3A_22 : vector<256x32x64xf32>
    %mul3A_24 = arith.constant 2.000000e-01 : f32
    %mul3A_25 = vector.broadcast %mul3A_24 : f32 to vector<256x32x64xf32>
    %mul3A_26 = arith.mulf %mul3A_25, %add3A_21 : vector<256x32x64xf32>
    %select_n3A = arith.select %ge3A_23, %add3A_21, %mul3A_26 : vector<256x32x64xi1>, vector<256x32x64xf32>
    %reshape3A = vector.shape_cast %select_n3A : vector<256x32x64xf32> to vector<8192x64xf32>
    %get3A_27 = arith.constant 0 : index
    %get3A_28 = arith.constant 0 : index
    %get3A_29 = vector.load %arg5[%get3A_27, %get3A_28] : memref<128x64xf32, #tpu.memory_space<vmem>>, vector<128x64xf32>
    "tpu.trace_start"() <{level = 10 : i32, message = "rk,ok->ro"}> : () -> ()
    %dot_general3A = arith.constant dense<0.000000e+00> : vector<8192x128xf32>
    %dot_general3A_30 = tpu.matmul %reshape3A, %get3A_29, %dot_general3A {dimension_numbers = #tpu.dot_dimension_numbers<[1], [1], [0], [0], [0, 0, 1, 0], [], []>, precision = #tpu.contract_precision<fp32>, transpose_lhs_hint = false} : vector<8192x64xf32>, vector<128x64xf32>, vector<8192x128xf32> -> vector<8192x128xf32>
    "tpu.trace_stop"() : () -> ()
    %get3A_31 = arith.constant 0 : index
    %get3A_32 = arith.constant 0 : index
    %get3A_33 = vector.load %arg8[%get3A_31, %get3A_32] : memref<2x128xf32, #tpu.memory_space<vmem>>, vector<1x128xf32>
    %get3A_34 = vector.shape_cast %get3A_33 : vector<1x128xf32> to vector<128xf32>
    %reduce_sum3A = arith.constant dense<0.000000e+00> : vector<128xf32>
    %reduce_sum3A_35 = vector.multi_reduction <add>, %dot_general3A_30, %reduce_sum3A [0] : vector<8192x128xf32> to vector<128xf32>
    %add3A_36 = arith.addf %get3A_34, %reduce_sum3A_35 : vector<128xf32>
    %swap3A = arith.constant 0 : index
    %swap3A_37 = arith.constant 0 : index
    %swap3A_38 = vector.load %arg8[%swap3A, %swap3A_37] : memref<2x128xf32, #tpu.memory_space<vmem>>, vector<1x128xf32>
    %swap3A_39 = vector.shape_cast %swap3A_38 : vector<1x128xf32> to vector<128xf32>
    %swap3A_40 = vector.shape_cast %add3A_36 : vector<128xf32> to vector<1x128xf32>
    tpu.vector_store %arg8[%swap3A, %swap3A_37], %swap3A_40 {strides = array<i32>} : memref<2x128xf32, #tpu.memory_space<vmem>>, vector<1x128xf32>,
    %get3A_41 = arith.constant 1 : index
    %get3A_42 = arith.constant 0 : index
    %get3A_43 = vector.load %arg8[%get3A_41, %get3A_42] : memref<2x128xf32, #tpu.memory_space<vmem>>, vector<1x128xf32>
    %get3A_44 = vector.shape_cast %get3A_43 : vector<1x128xf32> to vector<128xf32>
    %mul3A_45 = arith.mulf %dot_general3A_30, %dot_general3A_30 : vector<8192x128xf32>
    %reduce_sum3A_46 = arith.constant dense<0.000000e+00> : vector<128xf32>
    %reduce_sum3A_47 = vector.multi_reduction <add>, %mul3A_45, %reduce_sum3A_46 [0] : vector<8192x128xf32> to vector<128xf32>
    %add3A_48 = arith.addf %get3A_44, %reduce_sum3A_47 : vector<128xf32>
    %swap3A_49 = arith.constant 1 : index
    %swap3A_50 = arith.constant 0 : index
    %swap3A_51 = vector.load %arg8[%swap3A_49, %swap3A_50] : memref<2x128xf32, #tpu.memory_space<vmem>>, vector<1x128xf32>
    %swap3A_52 = vector.shape_cast %swap3A_51 : vector<1x128xf32> to vector<128xf32>
    %swap3A_53 = vector.shape_cast %add3A_48 : vector<128xf32> to vector<1x128xf32>
    tpu.vector_store %arg8[%swap3A_49, %swap3A_50], %swap3A_53 {strides = array<i32>} : memref<2x128xf32, #tpu.memory_space<vmem>>, vector<1x128xf32>,
    %reshape3A_54 = vector.shape_cast %dot_general3A_30 : vector<8192x128xf32> to vector<256x32x128xf32>
    %reduce_max3A = arith.constant dense<0xFF800000> : vector<256x128xf32>
    %reduce_max3A_55 = vector.multi_reduction <maximumf>, %reshape3A_54, %reduce_max3A [1] : vector<256x32x128xf32> to vector<256x128xf32>
    %swap3A_56 = arith.constant 0 : index
    %swap3A_57 = arith.constant 0 : index
    %swap3A_58 = vector.load %arg6[%swap3A_56, %swap3A_57] : memref<256x128xf32, #tpu.memory_space<vmem>>, vector<256x128xf32>
    tpu.vector_store %arg6[%swap3A_56, %swap3A_57], %reduce_max3A_55 {strides = array<i32>} : memref<256x128xf32, #tpu.memory_space<vmem>>, vector<256x128xf32>,
    %reduce_min3A = arith.constant dense<0x7F800000> : vector<256x128xf32>
    %reduce_min3A_59 = vector.multi_reduction <minimumf>, %reshape3A_54, %reduce_min3A [1] : vector<256x32x128xf32> to vector<256x128xf32>
    %swap3A_60 = arith.constant 0 : index
    %swap3A_61 = arith.constant 0 : index
    %swap3A_62 = vector.load %arg7[%swap3A_60, %swap3A_61] : memref<256x128xf32, #tpu.memory_space<vmem>>, vector<256x128xf32>
    tpu.vector_store %arg7[%swap3A_60, %swap3A_61], %reduce_min3A_59 {strides = array<i32>} : memref<256x128xf32, #tpu.memory_space<vmem>>, vector<256x128xf32>,
    return
  }
  func.func @transform_0(%arg0: i32) -> (i32, i32, i32) {
    %c0_i32 = arith.constant 0 : i32
    %c0_i32_0 = arith.constant 0 : i32
    %c0_i32_1 = arith.constant 0 : i32
    return %arg0, %c0_i32, %c0_i32_0 : i32, i32, i32
  }
  func.func @transform_1(%arg0: i32) -> (i32, i32) {
    %c0_i32 = arith.constant 0 : i32
    %c0_i32_0 = arith.constant 0 : i32
    return %arg0, %c0_i32 : i32, i32
  }
  func.func @transform_2(%arg0: i32) -> (i32, i32) {
    %c0_i32 = arith.constant 0 : i32
    %c0_i32_0 = arith.constant 0 : i32
    %c0_i32_1 = arith.constant 0 : i32
    return %c0_i32, %c0_i32_0 : i32, i32
  }
  func.func @transform_3(%arg0: i32) -> (i32, i32) {
    %c0_i32 = arith.constant 0 : i32
    %c0_i32_0 = arith.constant 0 : i32
    %c0_i32_1 = arith.constant 0 : i32
    return %c0_i32, %c0_i32_0 : i32, i32
  }
  func.func @transform_4(%arg0: i32) -> (i32, i32) {
    %c0_i32 = arith.constant 0 : i32
    %c0_i32_0 = arith.constant 0 : i32
    %c0_i32_1 = arith.constant 0 : i32
    return %c0_i32, %c0_i32_0 : i32, i32
  }
  func.func @transform_5(%arg0: i32) -> (i32, i32) {
    %c0_i32 = arith.constant 0 : i32
    %c0_i32_0 = arith.constant 0 : i32
    return %arg0, %c0_i32 : i32, i32
  }
  func.func @transform_6(%arg0: i32) -> (i32, i32) {
    %c0_i32 = arith.constant 0 : i32
    %c0_i32_0 = arith.constant 0 : i32
    return %arg0, %c0_i32 : i32, i32
  }
  func.func @transform_7(%arg0: i32) -> (i32, i32) {
    %c0_i32 = arith.constant 0 : i32
    %c0_i32_0 = arith.constant 0 : i32
    %c0_i32_1 = arith.constant 0 : i32
    return %c0_i32, %c0_i32_0 : i32, i32
  }
}

module attributes {stable_mosaic.version = 14 : i64} {
  func.func @_final_body(%arg0: i32, %arg1: memref<1024x128xf32, #tpu.memory_space<vmem>>, %arg2: memref<1024x128xf32, #tpu.memory_space<vmem>>, %arg3: memref<1x128xf32, #tpu.memory_space<vmem>>, %arg4: memref<1x128xf32, #tpu.memory_space<vmem>>, %arg5: memref<1024x128xf32, #tpu.memory_space<vmem>>) attributes {dimension_semantics = [#tpu.dimension_semantics<arbitrary>], iteration_bounds = array<i64: 16>, scalar_prefetch = 0 : i64, scratch_operands = 0 : i64, tpu.core_type = #tpu.core_type<tc>, window_params = [{transform_indices = @transform_0, window_bounds = array<i64: 1024, 128>}, {transform_indices = @transform_1, window_bounds = array<i64: 1024, 128>}, {pipeline_mode = #tpu.pipeline_mode<synchronous>, transform_indices = @transform_2, window_bounds = array<i64: 1, 128>}, {pipeline_mode = #tpu.pipeline_mode<synchronous>, transform_indices = @transform_3, window_bounds = array<i64: 1, 128>}, {transform_indices = @transform_4, window_bounds = array<i64: 1024, 128>}]} {
    %get3A = arith.constant 0 : index
    %get3A_0 = arith.constant 0 : index
    %get3A_1 = vector.load %arg3[%get3A, %get3A_0] : memref<1x128xf32, #tpu.memory_space<vmem>>, vector<1x128xf32>
    %get3A_2 = vector.shape_cast %get3A_1 : vector<1x128xf32> to vector<128xf32>
    %get3A_3 = arith.constant 0 : index
    %get3A_4 = arith.constant 0 : index
    %get3A_5 = vector.load %arg4[%get3A_3, %get3A_4] : memref<1x128xf32, #tpu.memory_space<vmem>>, vector<1x128xf32>
    %get3A_6 = vector.shape_cast %get3A_5 : vector<1x128xf32> to vector<128xf32>
    %ge3A = arith.constant 0.000000e+00 : f32
    %ge3A_7 = vector.broadcast %ge3A : f32 to vector<128xf32>
    %ge3A_8 = arith.cmpf oge, %get3A_2, %ge3A_7 : vector<128xf32>
    %broadcast_in_dim3A = vector.shape_cast %ge3A_8 : vector<128xi1> to vector<1x128xi1>
    %get3A_9 = arith.constant 0 : index
    %get3A_10 = arith.constant 0 : index
    %get3A_11 = vector.load %arg1[%get3A_9, %get3A_10] : memref<1024x128xf32, #tpu.memory_space<vmem>>, vector<1024x128xf32>
    %get3A_12 = arith.constant 0 : index
    %get3A_13 = arith.constant 0 : index
    %get3A_14 = vector.load %arg2[%get3A_12, %get3A_13] : memref<1024x128xf32, #tpu.memory_space<vmem>>, vector<1024x128xf32>
    %broadcast_in_dim3A_15 = vector.shape_cast %broadcast_in_dim3A : vector<1x128xi1> to vector<1x128xi1>
    %broadcast_in_dim3A_16 = vector.broadcast %broadcast_in_dim3A_15 : vector<1x128xi1> to vector<1024x128xi1>
    %select_n3A = arith.select %broadcast_in_dim3A_16, %get3A_11, %get3A_14 : vector<1024x128xi1>, vector<1024x128xf32>
    %broadcast_in_dim3A_17 = vector.shape_cast %get3A_2 : vector<128xf32> to vector<1x128xf32>
    %mul3A = vector.broadcast %broadcast_in_dim3A_17 : vector<1x128xf32> to vector<1024x128xf32>
    %mul3A_18 = arith.mulf %select_n3A, %mul3A : vector<1024x128xf32>
    %broadcast_in_dim3A_19 = vector.shape_cast %get3A_6 : vector<128xf32> to vector<1x128xf32>
    %add3A = vector.broadcast %broadcast_in_dim3A_19 : vector<1x128xf32> to vector<1024x128xf32>
    %add3A_20 = arith.addf %mul3A_18, %add3A : vector<1024x128xf32>
    %ge3A_21 = arith.constant 0.000000e+00 : f32
    %ge3A_22 = vector.broadcast %ge3A_21 : f32 to vector<1024x128xf32>
    %ge3A_23 = arith.cmpf oge, %add3A_20, %ge3A_22 : vector<1024x128xf32>
    %mul3A_24 = arith.constant 2.000000e-01 : f32
    %mul3A_25 = vector.broadcast %mul3A_24 : f32 to vector<1024x128xf32>
    %mul3A_26 = arith.mulf %mul3A_25, %add3A_20 : vector<1024x128xf32>
    %select_n3A_27 = arith.select %ge3A_23, %add3A_20, %mul3A_26 : vector<1024x128xi1>, vector<1024x128xf32>
    %swap3A = arith.constant 0 : index
    %swap3A_28 = arith.constant 0 : index
    %swap3A_29 = vector.load %arg5[%swap3A, %swap3A_28] : memref<1024x128xf32, #tpu.memory_space<vmem>>, vector<1024x128xf32>
    tpu.vector_store %arg5[%swap3A, %swap3A_28], %select_n3A_27 {strides = array<i32>} : memref<1024x128xf32, #tpu.memory_space<vmem>>, vector<1024x128xf32>,
    return
  }
  func.func @transform_0(%arg0: i32) -> (i32, i32) {
    %c0_i32 = arith.constant 0 : i32
    %c0_i32_0 = arith.constant 0 : i32
    return %arg0, %c0_i32 : i32, i32
  }
  func.func @transform_1(%arg0: i32) -> (i32, i32) {
    %c0_i32 = arith.constant 0 : i32
    %c0_i32_0 = arith.constant 0 : i32
    return %arg0, %c0_i32 : i32, i32
  }
  func.func @transform_2(%arg0: i32) -> (i32, i32) {
    %c0_i32 = arith.constant 0 : i32
    %c0_i32_0 = arith.constant 0 : i32
    %c0_i32_1 = arith.constant 0 : i32
    return %c0_i32, %c0_i32_0 : i32, i32
  }
  func.func @transform_3(%arg0: i32) -> (i32, i32) {
    %c0_i32 = arith.constant 0 : i32
    %c0_i32_0 = arith.constant 0 : i32
    %c0_i32_1 = arith.constant 0 : i32
    return %c0_i32, %c0_i32_0 : i32, i32
  }
  func.func @transform_4(%arg0: i32) -> (i32, i32) {
    %c0_i32 = arith.constant 0 : i32
    %c0_i32_0 = arith.constant 0 : i32
    return %arg0, %c0_i32 : i32, i32
  }
}

</mosaic_0001>

<sc_bundles>
// kernel: kernel.8.cloned.1.call-start
scs
__scs_entry_jumppad:
0x0: {  	(pc) =	sbr.rel $0x88, $3  }
0x1: {  	(tag) =	ssettag $0x0;
	lr =	simm.s32 $0x1  }
0x2: {  	[smem:$0x3F98] =	sst lr;
	_ =	strace $0xD0000000  }
0x3: {  	_ = 	snop  }
0x4: {  	_ = 	snop  }
0x5: {  	_ = 	snop  }
0x6: {  	_ = 	snop  }
0x7: {  	_ = 	snop  }
__scs_overlays_trampoline_lowered:
0x8: {  	[smem:$0x3FA7] =	sst s0  }
0x9: {  	[smem:$0x3FA8] =	sst s1  }
0xa: {  	[smem:$0x3FA9] =	sst s2  }
0xb: {  	[smem:$0x3FAA] =	sst s3  }
0xc: {  	[smem:$0x3FAB] =	sst s4  }
0xd: {  	[smem:$0x3FAC] =	sst s5  }
0xe: {  	[smem:$0x3FAD] =	sst s6  }
0xf: {  	[smem:$0x3FAE] =	sst s7  }
0x10: {  	[smem:$0x3FAF] =	sst s8  }
0x11: {  	[smem:$0x3FB0] =	sst s9;
	s0 =	simm.s32 @!p0 $0x0  }
0x12: {  	s1 =	sld [smem:$0x3F96];
	s0 =	simm.s32 @p0 $0x1  }
0x13: {  	[smem:$0x3FB1] =	sst s0;
	s0 =	simm.s32 @!p1 $0x0  }
0x14: {  	s2 =	sld [smem:$0x3F95];
	s0 =	simm.s32 @p1 $0x1  }
0x15: {  	[smem:$0x3FB2] =	sst s0;
	s0 =	simm.s32 @!p2 $0x0  }
0x16: {  	s3 =	sld [smem:$0x3FDB];
	s0 =	simm.s32 @p2 $0x1  }
0x17: {  	s4 =	simm.s32 $0x1BF5;
	[smem:$0x3FB4] =	sst s0  }
0x18: {  	s0 =	sld [smem:$0x3F97];
	_ =	swait.ge [sflag:s4], $0x0  }
0x19: {  	s7 =	sld [smem:$0x3F98]  }
0x1a: {  	s8 =	sadd.s32 $0xFFFFE003, lr  }
0x1b: {  	s9 =	sadd.s32 $0xFFFFFEF7, lr;
	s5 =	simm.s32 $0xFFFFFFFF;
	p2 =	slt.u32 s8, $0xFFFFF086  }
0x1c: {  	p1 =	slt.u32 s9, $0xF7A;
	s5 =	simm.s32 @!p2 $0x0  }
0x1d: {  	s5 =	simm.s32 @p1 $0x1;
	p0 =	seq.s32 s7, s2  }
0x1e: {  	s7 =	smul.u32 @!p0 $0xF7A, s2;
	p2 =	seq.s32 @!p0 s5, $0x0  }
0x1f: {  	s9 =	smul.u32 $0xF7A, s1;
	s8 =	simm.s32 @!p0 $0x1BF5;
	p2 =	por !p2, p0  }
0x20: {  	[sflag:s8] =	ssyncset.s32 @!p0 $0xFFFFF086;
	s6 =	sadd.s32 @!p0 s3, s7;
	s7 =	simm.s32 @!p0 $0x108  }
0x21: {  	s3 =	sadd.s32 s3, s9;
	s6 =	sadd.s32 @!p0 $0x88, s6;
	s7 =	simm.s32 @p2 $0x1082  }
0x22: {  	[simem:s7], [sflag:s8] =	dma.local @!p0 [hbm:s6], $0xF7A  }
0x23: {  	s9 =	sor.u32 $0xD0000000, s2;
	s6 =	simm.s32 $0x108;
	_ =	swait.ge @!p0 [sflag:s8], $0x0  }
0x24: {  	s3 =	sadd.s32 $0x88, s3;
	s6 =	simm.s32 @!p1 $0x1082;
	[sflag:s4] =	ssyncset.s32 $0xFFFFF086  }
0x25: {  	[simem:s6], [sflag:s4] =	dma.local [hbm:s3], $0xF7A  }
0x26: {  	[smem:$0x3F98] =	sst s1;
	(tag) =	ssettag s2;
	_ =	strace s9  }
0x27: {  	s1 =	sld [smem:$0x3FA8]  }
0x28: {  	s2 =	sld [smem:$0x3FA9]  }
0x29: {  	s4 =	sld [smem:$0x3FAB]  }
0x2a: {  	p0 =	seq.s32 s5, $0x0;
	s5 =	sld [smem:$0x3FAC]  }
0x2b: {  	s6 =	sld [smem:$0x3FAD]  }
0x2c: {  	s7 =	sld [smem:$0x3FAE]  }
0x2d: {  	s3 =	simm.s32 $0x108;
	s8 =	sld [smem:$0x3FAF]  }
0x2e: {  	s3 =	simm.s32 @!p0 $0x1082;
	s9 =	sld [smem:$0x3FB0]  }
0x2f: {  	lr =	sadd.s32 s0, s3;
	s0 =	sld [smem:$0x3FA7]  }
0x30: {  	s3 =	sld [smem:$0x3FAA]  }
0x31: {  	[smem:$0x3FB3] =	sst s10  }
0x32: {  	s10 =	sld [smem:$0x3FB1];
	_ =	sdelay $0x3  }
0x33: {  	p0 =	seq.s32 s10, $0x1;
	s10 =	sld [smem:$0x3FB3];
	_ =	sdelay $0x3  }
0x34: {  	[smem:$0x3FB3] =	sst s10  }
0x35: {  	s10 =	sld [smem:$0x3FB2];
	_ =	sdelay $0x3  }
0x36: {  	p1 =	seq.s32 s10, $0x1;
	s10 =	sld [smem:$0x3FB3];
	_ =	sdelay $0x3  }
0x37: {  	[smem:$0x3FB3] =	sst s10  }
0x38: {  	s10 =	sld [smem:$0x3FB4]  }
0x39: {  	_ = 	snop;
	(pc) =	sbr.ind lr, $3  }
0x3a: {  	_ = 	snop  }
0x3b: {  	_ = 	snop  }
0x3c: {  	p2 =	seq.s32 s10, $0x1;
	s10 =	sld [smem:$0x3FB3]  }
0x3d: {  	_ =	shalt  }
0x3e: {  	_ =	shalt  }
0x3f: {  	_ =	shalt  }
0x40: {  	_ =	shalt  }
0x41: {  	_ =	shalt  }
0x42: {  	_ =	shalt  }
0x43: {  	_ =	shalt  }
0x44: {  	_ =	shalt  }
0x45: {  	_ =	shalt  }
0x46: {  	_ =	shalt  }
0x47: {  	_ =	shalt  }
0x48: {  	_ =	shalt  }
0x49: {  	_ =	shalt  }
0x4a: {  	_ =	shalt  }
0x4b: {  	_ =	shalt  }
0x4c: {  	_ =	shalt  }
0x4d: {  	_ =	shalt  }
0x4e: {  	_ =	shalt  }
0x4f: {  	_ =	shalt  }
0x50: {  	_ =	shalt  }
0x51: {  	_ =	shalt  }
0x52: {  	_ =	shalt  }
0x53: {  	_ =	shalt  }
0x54: {  	_ =	shalt  }
0x55: {  	_ =	shalt  }
0x56: {  	_ =	shalt  }
0x57: {  	_ =	shalt  }
0x58: {  	_ =	shalt  }
0x59: {  	_ =	shalt  }
0x5a: {  	_ =	shalt  }
0x5b: {  	_ =	shalt  }
0x5c: {  	_ =	shalt  }
0x5d: {  	_ =	shalt  }
0x5e: {  	_ =	shalt  }
0x5f: {  	_ =	shalt  }
0x60: {  	_ =	shalt  }
0x61: {  	_ =	shalt  }
0x62: {  	_ =	shalt  }
0x63: {  	_ =	shalt  }
0x64: {  	_ =	shalt  }
0x65: {  	_ =	shalt  }
0x66: {  	_ =	shalt  }
0x67: {  	_ =	shalt  }
0x68: {  	_ =	shalt  }
0x69: {  	_ =	shalt  }
0x6a: {  	_ =	shalt  }
0x6b: {  	_ =	shalt  }
0x6c: {  	_ =	shalt  }
0x6d: {  	_ =	shalt  }
0x6e: {  	_ =	shalt  }
0x6f: {  	_ =	shalt  }
0x70: {  	_ =	shalt  }
0x71: {  	_ =	shalt  }
0x72: {  	_ =	shalt  }
0x73: {  	_ =	shalt  }
0x74: {  	_ =	shalt  }
0x75: {  	_ =	shalt  }
0x76: {  	_ =	shalt  }
0x77: {  	_ =	shalt  }
0x78: {  	_ =	shalt  }
0x79: {  	_ =	shalt  }
0x7a: {  	_ =	shalt  }
0x7b: {  	_ =	shalt  }
0x7c: {  	_ =	shalt  }
0x7d: {  	_ =	shalt  }
0x7e: {  	_ =	shalt  }
0x7f: {  	_ =	shalt  }
0x80: {  	_ =	shalt  }
0x81: {  	_ =	shalt  }
0x82: {  	_ =	shalt  }
0x83: {  	_ =	shalt  }
0x84: {  	_ =	shalt  }
0x85: {  	_ =	shalt  }
0x86: {  	_ =	shalt  }
0x87: {  	_ =	shalt  }
.Lfunc_end0:
.L_simem_size_0:
called_computation_lowered:
.L_overlay_start_0:
0x88: {  	s2 =	sld [smem:$0x3FD9]  }
0x89: {  	s3 =	sld [smem:$0x3FFE];
	_ =	sdelay $0x1  }
0x8a: {  	s1 =	srdreg.scid  }
0x8b: {  	s0 =	sand.u32 $0x1, s1  }
0x8c: {  	s14 =	sshll.u32 s0, $0xA;
	s2 =	sadd.s32 s3, s2  }
0x8d: {  	s2 =	sadd.s32 s2, s14  }
0x8e: {  	[smem:$0x3FBF] =	sst s2  }
0x8f: {  	_ = 	snop  }
0x90: {  	s2 =	sld [smem:$0x3FD0];
	_ =	sdelay $0x2  }
0x91: {  	s15 =	simm.s32 $0xA;
	s4 =	simm.s32 $0x10  }
0x92: {  	[smem:s4], [sflag:s15] =	dma.local [hbm:s2], $0x1  }
0x93: {  	_ =	swait.eq [sflag:s15], $0x1  }
0x94: {  	[sflag:s15] =	ssyncset.done $0x0  }
0x95: {  	[sflag:s15] =	ssyncadd.s32 $0xFFFFFFFF  }
0x96: {  	s16 =	sld [smem:$0x10];
	(tm) =	ssettm $0x1  }
0x97: {  	s17 =	sld [smem:$0x3FFB];
	_ =	sdelay $0x3  }
0x98: {  	_ =	strace s17  }
0x99: {  	s3 =	sld [smem:$0x3FFC];
	_ =	sdelay $0x3  }
0x9a: {  	_ =	strace s3  }
0x9b: {  	s3 =	sld [smem:$0x3FFD];
	_ =	sdelay $0x3  }
0x9c: {  	_ =	strace s3  }
0x9d: {  	_ =	strace $0x8FFFFFFF  }
0x9e: {  	s18 =	sld [smem:$0x3FDB];
	_ =	sdelay $0x1  }
0x9f: {  	s19 =	simm.s32 $_scs_section_size  }
0xa0: {  	s5 =	simm.s32 $_size__tile_overlayer_lowered;
	s6 =	simm.s32 $_tile_overlayer_lowered  }
0xa1: {  	s22 =	simm.s32 $0x1BFF;
	s21 =	sshll.u32 s6, $0x1;
	s3 =	sadd.s32 s19, s18  }
0xa2: {  	s7 =	simm.s32 $0x0;
	s20 =	sshll.u32 s5, $0x1;
	s5 =	sadd.s32 s21, s3  }
0xa3: {  	[timem:s7], [sflag:s22] =	dma.local [hbm:s5], s20  }
0xa4: {  	_ =	swait.ge [sflag:s22], s20  }
0xa5: {  	s4 =	ssub.s32 $0x0, s20;
	[sflag:s22] =	ssyncset.done $0x0  }
0xa6: {  	[sflag:s22] =	ssyncadd.s32 s4;
	_ =	sdelay $0x1  }
0xa7: {  	s23 =	simm.s32 $0x1B8B  }
0xa8: {  	_ =	swait.ge [sflag:s23], $0x1  }
0xa9: {  	[sflag:s23] =	ssyncset.done $0x0  }
0xaa: {  	s25 =	simm.s32 $0x1B8E;
	s24 =	sld [smem:$0x3FFE];
	[sflag:s23] =	ssyncadd.s32 $0xFFFFFFFF  }
0xab: {  	s26 =	simm.s32 $execute0_lowered;
	[smem:$0x3FD2] =	sst s25  }
0xac: {  	s5 =	sshll.u32 s26, $0x1;
	_ =	strace $0x80000046;
	[dreg:$0x1] =	wrdreg $0xFFFFFFFF  }
0xad: {  	s28 =	simm.s32 $_size_execute0_lowered;
	s3 =	sadd.s32 s3, s5;
	[dreg:$0x0] =	wrdreg $0x0  }
0xae: {  	s5 =	sshll.u32 s28, $0x1;
	[dreg:$0x2] =	wrdreg s3  }
0xaf: {  	[dreg:$0x3] =	wrdreg s5  }
0xb0: {  	[dreg:$0x4] =	wrdreg $0xC0  }
0xb1: {  	_ =	task [dreg:s7], $0x5FFFF  }
0xb2: {  	[dreg:$0x1] =	wrdreg $0xFFFFFFFF  }
0xb3: {  	[dreg:$0x0] =	wrdreg $0x60  }
0xb4: {  	[dreg:$0x2] =	wrdreg s16  }
0xb5: {  	[dreg:$0x3] =	wrdreg s24  }
0xb6: {  	[dreg:$0x4] =	wrdreg $0x9  }
0xb7: {  	_ =	task.clear_ibuf [dreg:s7], $0x5FFFF;
	_ =	strace $0x90000046  }
0xb8: {  	s29 =	simm.s32 $0x9;
	_ =	strace $0x80000048  }
0xb9: {  	_ =	swait.ge [sflag:s29], $0x1  }
0xba: {  	[sflag:s29] =	ssyncadd.s32 $0xFFFFFFFF  }
0xbb: {  	_ =	strace $0x90000048  }
0xbc: {  	_ =	sfence  }
0xbd: {  	s30 =	sld [smem:$0x0];
	_ =	sdelay $0x2  }
0xbe: {  	s31 =	sshll.u32 s1, $0xD;
	s1 =	sshrl.u32 s1, $0x2  }
0xbf: {  	s3 =	sand.u32 $0x4000, s31;
	s1 =	sadd.s32 s1, s30  }
0xc0: {  	s0 =	sor.u32 s3, s0;
	s1 =	sshll.u32 s1, $0x11  }
0xc1: {  	s0 =	sor.u32 s1, s0  }
0xc2: {  	s0 =	sadd.s32 $0x8F2B, s0  }
0xc3: {  	[sflag:s0] =	ssyncadd.remote.s32 $0x1  }
0xc4: {  	_ =	sfence.sel $0xFFFF  }
0xc5: {  	[dreg:$0x0] =	wrdreg $0xFFFFFFFF;
	(pc) =	sbr.abs _section_cstart, $3  }
0xc6: {  	[dreg:$0x1] =	wrdreg $0xFFFFFFFF  }
0xc7: {  	_ =	task.clear_ibuf [dreg:s7], $0x2FFFF;
	_ =	strace $0x9FFFFFFF  }
0xc8: {  	(tm) =	ssettm $0x7FFFFFFF  }
0xc9: {  	_ =	shalt  }
tec
execute0_lowered:
.L_overlay_start_1:
0x0: {  	(tag) =	ssettag $0x1  }
0x1: {  	s1 =	rddreg [dreg:$0x0]  }
0x2: {  	s4 =	rddreg [dreg:$0x1]  }
0x3: {  	s0 =	rddreg [dreg:$0x2];
	s5 =	srdreg.scid  }
0x4: {  	s3 =	simm.s32 $0x0;
	s2 =	stileid.u32;
	s10 =	simm.s32 $0x0  }
0x5: {  	s5 =	sand.u32 $0x1, s5;
	[smem:$0x7FF] =	sst s3;
	s6 =	sshll.u32 s2, $0xF  }
0x6: {  	s8 =	sshll.u32 s2, $0x13;
	s7 =	sshll.u32 s5, $0xE;
	_ =	strace $0x80000047  }
0x7: {  	s31 =	ssub.s32 $0x2, s5;
	s8 =	sadd.s32 s8, s4;
	s5 =	sshll.u32 s5, $0x12  }
0x8: {  	s6 =	sor.u32 s7, s6;
	s9 =	sshrl.u32 s31, $0x1;
	s5 =	sadd.s32 s5, s8  }
0x9: {  	s8 =	simm.s32 $0x80;
	s6 =	sshrl.u32 s6, $0x3;
	s7 =	ssub.s32 s31, s9  }
0xa: {  	s5 =	sadd.s32 $0x52800, s5;
	s9 =	simm.s32 $0x1;
	s6 =	sadd.s32 s6, s4  }
0xb: {  	s4 =	smax.u32 s7, $0x1;
	s7 =	simm.s32 $0x2;
	s6 =	sadd.s32 $0x2800, s6  }
.LBB2_1:
0xc: {  	s11 =	sadd.s32 $0x0, s6  }
0xd: {  	[tilespmem:s3], [sflag:$0x2] =	stream.linear.gather [hbm4b:s11+s3], $0x80, $0x38;
	[tilespmem:$0x4080] =	vst v63  }
0xe: {  	_ =	swait.ge [sflag:s7], $0x80  }
0xf: {  	[sflag:s7] =	ssyncset.done $0x0  }
0x10: {  	[sflag:s7] =	ssyncadd.s32 $0xFFFFFF80  }
0x11: {  	[tilespmem:s8], [sflag:$0x1] =	stream.indirect.gather [hbm4b:s1+s8], $0x80, s3, s8, $0xb8;
	[tilespmem:$0x4080] =	vst v63  }
0x12: {  	_ =	swait.ge [sflag:s9], $0x4000  }
0x13: {  	[sflag:s9] =	ssyncset.done $0x0  }
0x14: {  	[sflag:s9] =	ssyncadd.s32 $0xFFFFC000  }
0x15: {  	[hbm4b:s5+s3] =	stream.linear.scatter [tilespmem:s8], [sflag:$0x2], $0x4000, $0x38;
	[tilespmem:$0x4080] =	vst v63  }
0x16: {  	s12 =	simm.s32 $0x10;
	_ =	swait.ge [sflag:s7], $0x4000  }
0x17: {  	s13 =	simm.s32 $0x20;
	s11 =	sadd.s32 $0x800, s5;
	[sflag:s7] =	ssyncset.done $0x0  }
.LBB2_2:
0x18: {  	s14 =	sadd.s32 s12, s6  }
0x19: {  	[sflag:s7] =	ssyncadd.s32 $0xFFFFC000;
	s12 =	smov.u32 s13;
	s15 =	sadd.s32 $0x10, s13  }
0x1a: {  	[tilespmem:s3], [sflag:$0x2] =	stream.linear.gather [hbm4b:s14+s3], $0x80, $0x38;
	[tilespmem:$0x4080] =	vst v63  }
0x1b: {  	p0 =	sne.s32 s13, $0x7F0;
	_ =	swait.ge [sflag:s7], $0x80  }
0x1c: {  	[sflag:s7] =	ssyncset.done $0x0  }
0x1d: {  	[sflag:s7] =	ssyncadd.s32 $0xFFFFFF80  }
0x1e: {  	[tilespmem:s8], [sflag:$0x1] =	stream.indirect.gather [hbm4b:s1+s8], $0x80, s3, s8, $0xb8;
	[tilespmem:$0x4080] =	vst v63  }
0x1f: {  	_ =	swait.ge [sflag:s9], $0x4000  }
.Ltmp0:
0x20: {  	[sflag:s9] =	ssyncset.done $0x0;
	(pc) =	sbr.rel @p0 .LBB2_2-.Ltmp0, $4  }
0x21: {  	[sflag:s9] =	ssyncadd.s32 $0xFFFFC000  }
0x22: {  	[hbm4b:s11+s3] =	stream.linear.scatter [tilespmem:s8], [sflag:$0x2], $0x4000, $0x38;
	[tilespmem:$0x4080] =	vst v63  }
0x23: {  	_ =	swait.ge [sflag:s7], $0x4000  }
0x24: {  	s13 =	smov.u32 s15;
	s11 =	sadd.s32 $0x800, s11;
	[sflag:s7] =	ssyncset.done $0x0  }
0x25: {  	s12 =	sadd.s32 s12, s6;
	[sflag:s7] =	ssyncadd.s32 $0xFFFFC000  }
0x26: {  	[tilespmem:s3], [sflag:$0x2] =	stream.linear.gather [hbm4b:s12+s3], $0x80, $0x38;
	[tilespmem:$0x4080] =	vst v63  }
0x27: {  	_ =	swait.ge [sflag:s7], $0x80  }
0x28: {  	[sflag:s7] =	ssyncset.done $0x0  }
0x29: {  	[sflag:s7] =	ssyncadd.s32 $0xFFFFFF80  }
0x2a: {  	[tilespmem:s8], [sflag:$0x1] =	stream.indirect.gather [hbm4b:s1+s8], $0x80, s3, s8, $0xb8;
	[tilespmem:$0x4080] =	vst v63  }
0x2b: {  	s10 =	sadd.s32 $0x1, s10;
	_ =	swait.ge [sflag:s9], $0x4000  }
0x2c: {  	p0 =	sne.s32 s10, s4;
	[sflag:s9] =	ssyncset.done $0x0  }
.Ltmp1:
0x2d: {  	[sflag:s9] =	ssyncadd.s32 $0xFFFFC000;
	(pc) =	sbr.rel @p0 .LBB2_1-.Ltmp1, $4  }
0x2e: {  	[hbm4b:s11+s3] =	stream.linear.scatter [tilespmem:s8], [sflag:$0x2], $0x4000, $0x38;
	[tilespmem:$0x4080] =	vst v63  }
0x2f: {  	_ =	swait.ge [sflag:s7], $0x4000  }
0x30: {  	[sflag:s7] =	ssyncset.done $0x0  }
0x31: {  	[sflag:s7] =	ssyncadd.s32 $0xFFFFC000  }
0x32: {  	_ =	sfence.sel $0x180000  }
0x33: {  	[bflag:$0x0] =	sbarrier.arrive $0xFFFF  }
0x34: {  	p0 =	sne.s32 s2, $0x0;
	_ =	strace $0x90000047  }
0x35: {  	s0 =	sadd.s32 @!p0 $0x100000, s0;
	[bflag:$0x2] =	sbarrier.arrive $0xFFFF  }
0x36: {  	[sflag:s0] =	ssyncadd.tile.s32 @!p0 $0x1;
	_ =	shalt  }
.Lfunc_end2:
_tile_overlayer_lowered:
.L_overlay_start_2:
0x37: {  	(tag) =	ssettag $0x2  }
0x38: {  	s0 =	rddreg [dreg:$0x0];
	s2 =	stileid.u32  }
0x39: {  	s1 =	rddreg [dreg:$0x1];
	p0 =	sne.s32 s2, $0x0  }
0x3a: {  	s3 =	rddreg [dreg:$0x2];
	[bflag:$0x3] =	sbarrier.arrive $0xFFFF;
	s2 =	simm.s32 @!p0 $0x1C02  }
0x3b: {  	[timem:s3], [sflag:s2] =	dma.local @!p0 [hbm:s0], s1  }
0x3c: {  	s0 =	simm.s32 @!p0 $0x2  }
0x3d: {  	_ =	swait.ge @!p0 [sflag:s0], s1  }
0x3e: {  	s1 =	ssub.s32 @!p0 $0x0, s1;
	[sflag:s0] =	ssyncset.done @!p0 $0x0  }
0x3f: {  	[sflag:s0] =	ssyncadd.s32 @!p0 s1  }
0x40: {  	[bflag:$0x3] =	sbarrier.arrive $0xFFFF  }
0x41: {  	_ =	shalt  }

</sc_bundles>
